<compile_context>
chip_gen: v7x
topology: tpu7x:2x2x1
jax: 0.10.2.dev20260603
libtpu: 0.0.44.dev20260713+nightly
codegen_flags: <defaults>
</compile_context>

<pallas_src>
import functools

import jax
import jax.numpy as jnp
from jax import lax
from jax.experimental import pallas as pl
from jax.experimental.pallas import tpu as pltpu
from jax.experimental.pallas import tpu_sc as plsc

NC = 2
NS = 16
NW = NC * NS
LANES = 16
K = 80


def _mesh():
  return plsc.VectorSubcoreMesh(core_axis_name="c", subcore_axis_name="s",
                                num_cores=NC)


@functools.partial(jax.jit, static_argnames=("n", "r", "pt"))
def _sc_prep(src, dst, typ, zeros_hist, *, n, r, pt):
  e = src.shape[0]
  nr = n * r
  per_tile_a = e // NS
  per_tile_b = e // NW
  nb_a = per_tile_a // K
  nb_b = per_tile_b // K
  stripe = nr // NS
  lanes_b = per_tile_b // LANES
  padw = pt - per_tile_b

  @functools.partial(
      pl.kernel,
      out_type=(jax.ShapeDtypeStruct((NW * pt,), jnp.int32),
                jax.ShapeDtypeStruct((NW * pt,), jnp.int32),
                jax.ShapeDtypeStruct((NW * pt,), jnp.float32)),
      mesh=_mesh(),
      scratch_types=[
          pltpu.VMEM((4 * per_tile_b,), jnp.int32),
          pltpu.VMEM((nb_a, K), jnp.int32),
          pltpu.VMEM((per_tile_b,), jnp.float32),
          pltpu.VMEM((per_tile_b,), jnp.float32),
          pltpu.VMEM((K,), jnp.float32),
          pltpu.VMEM((K,), jnp.int32),
          pltpu.VMEM((K,), jnp.float32),
          pltpu.VMEM_SHARED((nr,), jnp.float32),
          pltpu.SemaphoreType.DMA,
      ],
  )
  def prep(src_h, dst_h, typ_h, zeros_h, g_h, dstp_h, w_h,
           big_v, key_v, cnt_v, w_v, ones_v, zi_v, zf_v, hist_sh, sem):
    sid = lax.axis_index("s")
    cid = lax.axis_index("c")
    wid = sid * NC + cid
    pb = per_tile_b

    pltpu.sync_copy(zeros_h, cnt_v.at[pl.ds(0, stripe)])
    pltpu.sync_copy(cnt_v.at[pl.ds(0, stripe)],
                    hist_sh.at[pl.ds(sid * stripe, stripe)])
    for j in range(K // LANES):
      sl = pl.ds(j * LANES, LANES)
      ones_v[sl] = jnp.full((LANES,), 1.0, jnp.float32)
      zi_v[sl] = jnp.zeros((LANES,), jnp.int32)
      zf_v[sl] = jnp.zeros((LANES,), jnp.float32)

    base_a = sid * per_tile_a
    pltpu.sync_copy(dst_h.at[pl.ds(base_a, per_tile_a)],
                    big_v.at[pl.ds(0, per_tile_a)])
    pltpu.sync_copy(typ_h.at[pl.ds(base_a, per_tile_a)],
                    big_v.at[pl.ds(per_tile_a, per_tile_a)])
    plsc.subcore_barrier()

    def body_a(b, carry):
      for j in range(K // LANES):
        o = b * K + j * LANES
        d16 = big_v[pl.ds(o, LANES)]
        t16 = big_v[pl.ds(per_tile_a + o, LANES)]
        key_v[b, pl.ds(j * LANES, LANES)] = d16 * r + t16
      pltpu.async_copy(ones_v, hist_sh.at[key_v.at[b]], sem, add=True)
      return carry

    lax.fori_loop(0, nb_a, body_a, 0)
    pltpu.make_async_copy(dst_h.at[pl.ds(base_a, per_tile_a)],
                          big_v.at[pl.ds(0, per_tile_a)], sem).wait()
    plsc.subcore_barrier()

    base_b = wid * pb
    pltpu.sync_copy(src_h.at[pl.ds(base_b, pb)], big_v.at[pl.ds(0, pb)])
    pltpu.sync_copy(dst_h.at[pl.ds(base_b, pb)], big_v.at[pl.ds(pb, pb)])
    pltpu.sync_copy(typ_h.at[pl.ds(base_b, pb)], big_v.at[pl.ds(2 * pb, pb)])

    def body_b(b, carry):
      for j in range(K // LANES):
        o = b * K + j * LANES
        s16 = big_v[pl.ds(o, LANES)]
        d16 = big_v[pl.ds(pb + o, LANES)]
        t16 = big_v[pl.ds(2 * pb + o, LANES)]
        big_v[pl.ds(3 * pb + o, LANES)] = s16 * r + t16
        key_v[b, pl.ds(j * LANES, LANES)] = d16 * r + t16
      pltpu.async_copy(hist_sh.at[key_v.at[b]], cnt_v.at[pl.ds(b * K, K)], sem)
      return carry

    lax.fori_loop(0, nb_b, body_b, 0)
    pltpu.make_async_copy(src_h.at[pl.ds(base_b, pb)],
                          cnt_v, sem).wait()

    def body_w(i, carry):
      sl = pl.ds(i * LANES, LANES)
      w_v[sl] = 1.0 / jnp.maximum(cnt_v[sl], 1.0)
      return carry

    lax.fori_loop(0, lanes_b, body_w, 0)
    ob = wid * pt
    pltpu.sync_copy(big_v.at[pl.ds(3 * pb, pb)], g_h.at[pl.ds(ob, pb)])
    pltpu.sync_copy(big_v.at[pl.ds(pb, pb)], dstp_h.at[pl.ds(ob, pb)])
    pltpu.sync_copy(w_v, w_h.at[pl.ds(ob, pb)])
    for q in range(padw // K):
      pltpu.sync_copy(zi_v, g_h.at[pl.ds(ob + pb + q * K, K)])
      pltpu.sync_copy(zi_v, dstp_h.at[pl.ds(ob + pb + q * K, K)])
      pltpu.sync_copy(zf_v, w_h.at[pl.ds(ob + pb + q * K, K)])

  return prep(src, dst, typ, zeros_hist)


NBUF = 2


@functools.partial(jax.jit, static_argnames=("n", "d"))
def _sc_scatter(table, g4, dst4, w4, zeros_acc, *, n, d):
  pt = g4.shape[0] // NW
  nbt = pt // K
  total_chunks = n // K
  NZC = -(-total_chunks // NS)
  NZC_LAST = total_chunks - (NS - 1) * NZC

  @functools.partial(
      pl.kernel,
      out_type=jax.ShapeDtypeStruct((NC, n, d), jnp.float32),
      mesh=_mesh(),
      scratch_types=[
          pltpu.VMEM((pt,), jnp.int32),
          pltpu.VMEM((pt,), jnp.int32),
          pltpu.VMEM((pt,), jnp.float32),
          pltpu.VMEM((K,), jnp.int32),
          pltpu.VMEM((K,), jnp.int32),
          pltpu.VMEM((NBUF, K, d), jnp.float32),
          pltpu.VMEM_SHARED((n, d), jnp.float32),
          pltpu.SemaphoreType.DMA((NBUF,)),
          pltpu.SemaphoreType.DMA((NBUF,)),
          pltpu.SemaphoreType.DMA,
      ],
  )
  def scat(t_h, g_h, dst_h, w_h, zeros_h, out_h,
           g_v, dst_v, w_v, di0_v, di1_v, rows_v, acc_sh, gsem, ssem, msem):
    di_v = (di0_v, di1_v)
    sid = lax.axis_index("s")
    cid = lax.axis_index("c")
    wid = sid * NC + cid
    hbase = wid * pt

    pltpu.async_copy(g_h.at[pl.ds(hbase, pt)], g_v, msem)
    pltpu.async_copy(dst_h.at[pl.ds(hbase, pt)], dst_v, msem)
    pltpu.async_copy(w_h.at[pl.ds(hbase, pt)], w_v, msem)

    pltpu.sync_copy(zeros_h, rows_v.at[0])

    def zinit(c, carry):
      pltpu.sync_copy(rows_v.at[0],
                      acc_sh.at[pl.ds(sid * (K * NZC) + c * K, K)])
      return carry

    nz = jnp.where(sid == NS - 1, NZC_LAST, NZC)
    lax.fori_loop(0, nz, zinit, 0)

    pltpu.make_async_copy(g_h.at[pl.ds(hbase, pt)], g_v, msem).wait()
    pltpu.make_async_copy(dst_h.at[pl.ds(hbase, pt)], dst_v, msem).wait()
    pltpu.make_async_copy(w_h.at[pl.ds(hbase, pt)], w_v, msem).wait()
    pltpu.async_copy(t_h.at[g_v.at[pl.ds(0, K)]], rows_v.at[0], gsem.at[0])
    plsc.subcore_barrier()

    def inner(gi, carry):
      for j in range(NBUF):
        i = gi * NBUF + j
        jn = (j + 1) % NBUF

        for grp in range(K // LANES):
          di_v[j][pl.ds(grp * LANES, LANES)] = (
              dst_v[pl.ds(i * K + grp * LANES, LANES)])

        @pl.when(i >= 1)
        def _():
          pltpu.make_async_copy(rows_v.at[jn], acc_sh.at[di_v[jn]],
                                ssem.at[jn]).wait()

        @pl.when(i + 1 < nbt)
        def _():
          pltpu.async_copy(t_h.at[g_v.at[pl.ds((i + 1) * K, K)]],
                           rows_v.at[jn], gsem.at[jn])

        pltpu.make_async_copy(t_h.at[g_v.at[pl.ds(i * K, K)]],
                              rows_v.at[j], gsem.at[j]).wait()

        def scale(grp, c2):
          base_i = grp * LANES
          wv = w_v[pl.ds(i * K + base_i, LANES)]
          for ii in range(LANES):
            ws = wv[ii]
            for k in range(d // LANES):
              sl = pl.ds(k * LANES, LANES)
              rows_v[j, base_i + ii, sl] = rows_v[j, base_i + ii, sl] * ws
          return c2

        lax.fori_loop(0, K // LANES, scale, 0)
        pltpu.async_copy(rows_v.at[j], acc_sh.at[di_v[j]],
                         ssem.at[j], add=True)
      return carry

    lax.fori_loop(0, nbt // NBUF, inner, 0)
    pltpu.make_async_copy(rows_v.at[1], acc_sh.at[di_v[1]],
                          ssem.at[1]).wait()
    plsc.subcore_barrier()

    def flush(c, carry):
      row0 = sid * (K * NZC) + c * K
      pltpu.sync_copy(acc_sh.at[pl.ds(row0, K)], rows_v.at[0])
      pltpu.sync_copy(rows_v.at[0], out_h.at[cid, pl.ds(row0, K)])
      return carry

    lax.fori_loop(0, nz, flush, 0)

  return scat(table, g4, dst4, w4, zeros_acc)


_BN = 2000


def _mm_out(h, rel_ref, root_ref, orel_ref, oroot_ref):
  r, d = rel_ref.shape[0], rel_ref.shape[1]
  for rr in range(r):
    orel_ref[:, pl.ds(rr * d, d)] = jnp.dot(
        h, rel_ref[rr], preferred_element_type=jnp.float32)
  oroot_ref[...] = jnp.dot(h, root_ref[...],
                           preferred_element_type=jnp.float32)


def _tc_first_body(x_ref, w_ref, b_ref, rel_ref, root_ref,
                   orel_ref, oroot_ref):
  h = jnp.dot(x_ref[...], w_ref[...], preferred_element_type=jnp.float32)
  h = jnp.maximum(h + b_ref[...], 0.0)
  _mm_out(h, rel_ref, root_ref, orel_ref, oroot_ref)


def _tc_first(x, w_in, b_in, rel, root):
  n, d = x.shape
  r = rel.shape[0]
  return pl.pallas_call(
      _tc_first_body,
      grid=(n // _BN,),
      in_specs=[
          pl.BlockSpec((_BN, d), lambda i: (i, 0)),
          pl.BlockSpec((d, d), lambda i: (0, 0)),
          pl.BlockSpec((1, d), lambda i: (0, 0)),
          pl.BlockSpec((r, d, d), lambda i: (0, 0, 0)),
          pl.BlockSpec((d, d), lambda i: (0, 0)),
      ],
      out_specs=(pl.BlockSpec((_BN, r * d), lambda i: (i, 0)),
                 pl.BlockSpec((_BN, d), lambda i: (i, 0))),
      out_shape=(jax.ShapeDtypeStruct((n, r * d), jnp.float32),
                 jax.ShapeDtypeStruct((n, d), jnp.float32)),
  )(x, w_in, b_in, rel, root)


def _tc_mid_body(p_ref, root_ref, b_ref, rel_ref, rootw_ref,
                 orel_ref, oroot_ref):
  p = p_ref[...]
  h = jnp.maximum(p[0] + p[1] + root_ref[...] + b_ref[...], 0.0)
  _mm_out(h, rel_ref, rootw_ref, orel_ref, oroot_ref)


def _tc_mid(p, t_root, b, rel, root):
  n, d = p.shape[1], p.shape[2]
  r = rel.shape[0]
  return pl.pallas_call(
      _tc_mid_body,
      grid=(n // _BN,),
      in_specs=[
          pl.BlockSpec((2, _BN, d), lambda i: (0, i, 0)),
          pl.BlockSpec((_BN, d), lambda i: (i, 0)),
          pl.BlockSpec((1, d), lambda i: (0, 0)),
          pl.BlockSpec((r, d, d), lambda i: (0, 0, 0)),
          pl.BlockSpec((d, d), lambda i: (0, 0)),
      ],
      out_specs=(pl.BlockSpec((_BN, r * d), lambda i: (i, 0)),
                 pl.BlockSpec((_BN, d), lambda i: (i, 0))),
      out_shape=(jax.ShapeDtypeStruct((n, r * d), jnp.float32),
                 jax.ShapeDtypeStruct((n, d), jnp.float32)),
  )(p, t_root, b, rel, root)


def _tc_last_body(p_ref, root_ref, b_ref, o_ref):
  p = p_ref[...]
  o_ref[...] = jnp.maximum(p[0] + p[1] + root_ref[...] + b_ref[...], 0.0)


def _tc_last(p, t_root, b):
  n, d = p.shape[1], p.shape[2]
  return pl.pallas_call(
      _tc_last_body,
      grid=(n // _BN,),
      in_specs=[
          pl.BlockSpec((2, _BN, d), lambda i: (0, i, 0)),
          pl.BlockSpec((_BN, d), lambda i: (i, 0)),
          pl.BlockSpec((1, d), lambda i: (0, 0)),
      ],
      out_specs=pl.BlockSpec((_BN, d), lambda i: (i, 0)),
      out_shape=jax.ShapeDtypeStruct((n, d), jnp.float32),
  )(p, t_root, b)


def kernel(x, edge_index, edge_attr, W_in, b_in, rel_W, root_W, root_b):
  n, d = x.shape
  e = edge_index.shape[1]
  nl, r = rel_W.shape[0], rel_W.shape[1]

  src = edge_index[0]
  dst = edge_index[1]
  typ = edge_attr[:, 1].astype(jnp.int32)
  edge_distance = edge_attr[:, 0].astype(jnp.float32)

  zeros_hist = jnp.zeros((n * r // NS,), jnp.float32)
  zeros_acc = jnp.zeros((K, d), jnp.float32)

  nb = e // NW // K
  nbt = nb + (nb % NBUF)
  pt = nbt * K

  g4, dst4, w4 = _sc_prep(src, dst, typ, zeros_hist, n=n, r=r, pt=pt)

  t_rel, t_root = _tc_first(x, W_in, b_in.reshape(1, d),
                            rel_W[0], root_W[0])
  h = None
  for l in range(nl):
    p = _sc_scatter(t_rel.reshape(n * r, d), g4, dst4, w4, zeros_acc,
                    n=n, d=d)
    if l < nl - 1:
      t_rel, t_root = _tc_mid(p, t_root, root_b[l].reshape(1, d),
                              rel_W[l + 1], root_W[l + 1])
    else:
      h = _tc_last(p, t_root, root_b[l].reshape(1, d))
  return (h, edge_distance)

# --- scband reference (transcript-rebuilt; emitter-appended) ---
"""Pipeline reference for scband-rgcn-57380763074878 (READ-ONLY COPY).

The authoritative reference and input builder live on the scoring server;
editing this copy changes nothing except your own understanding.
"""

import jax, jax.numpy as jnp
import numpy as np

N = 10000
E = 320000
D = 128
R = 8
L = 3


def setup_inputs(seed: int = 0) -> dict:
    key = jax.random.key(seed)
    ks = jax.random.split(key, 10)
    x = jax.random.normal(ks[0], (N, D), dtype=jnp.float32)
    edge_index = jax.random.randint(ks[1], (2, E), 0, N, dtype=jnp.int32)
    edge_attr = jax.random.randint(ks[2], (E, 2), 0, R).astype(jnp.float32)
    W_in = jax.random.normal(ks[3], (D, D), dtype=jnp.float32) * 0.05
    b_in = jnp.zeros((D,), dtype=jnp.float32)
    rel_W = jax.random.normal(ks[4], (L, R, D, D), dtype=jnp.float32) * 0.05
    root_W = jax.random.normal(ks[5], (L, D, D), dtype=jnp.float32) * 0.05
    root_b = jnp.zeros((L, D), dtype=jnp.float32)
    return {"x": x, "edge_index": edge_index, "edge_attr": edge_attr,
            "W_in": W_in, "b_in": b_in, "rel_W": rel_W, "root_W": root_W, "root_b": root_b}


def reference(x, edge_index, edge_attr, W_in, b_in, rel_W, root_W, root_b):
    edge_type = edge_attr[:, 1].astype(jnp.int32)
    edge_distance = edge_attr[:, 0].astype(jnp.float32)
    src = edge_index[0]
    dst = edge_index[1]
    n = x.shape[0]
    h = jax.nn.relu(x @ W_in + b_in)
    for l in range(L):
        out = h @ root_W[l] + root_b[l]
        for r in range(R):
            mask = (edge_type == r).astype(h.dtype)
            # transform nodes per relation, then gather per edge (equivalent to W_r x_j per edge)
            msg = (h @ rel_W[l, r])[src] * mask[:, None]
            agg = jax.ops.segment_sum(msg, dst, num_segments=n)
            cnt = jax.ops.segment_sum(mask, dst, num_segments=n)
            out = out + agg / jnp.clip(cnt, 1.0, None)[:, None]
        h = jax.nn.relu(out)
    return (h, edge_distance)

if __name__ == "__main__":
    import jax
    _d = setup_inputs()
    print(jax.jit(kernel)(*tuple(_d.values())))

</pallas_src>

<mosaic_0001>
#map = affine_map<(d0, d1) -> (0)>
module attributes {stable_mosaic.version = 14 : i64} {
  func.func @prep(%arg0: i32, %arg1: i32, %arg2: memref<320000xi32, #tpu.memory_space<hbm>>, %arg3: memref<320000xi32, #tpu.memory_space<hbm>>, %arg4: memref<320000xi32, #tpu.memory_space<hbm>>, %arg5: memref<5000xf32, #tpu.memory_space<hbm>>, %arg6: memref<322560xi32, #tpu.memory_space<hbm>>, %arg7: memref<322560xi32, #tpu.memory_space<hbm>>, %arg8: memref<322560xf32, #tpu.memory_space<hbm>>, %arg9: memref<40000xi32, #tpu.memory_space<vmem>>, %arg10: memref<250x80xi32, #tpu.memory_space<vmem>>, %arg11: memref<10000xf32, #tpu.memory_space<vmem>>, %arg12: memref<10000xf32, #tpu.memory_space<vmem>>, %arg13: memref<80xf32, #tpu.memory_space<vmem>>, %arg14: memref<80xi32, #tpu.memory_space<vmem>>, %arg15: memref<80xf32, #tpu.memory_space<vmem>>, %arg16: memref<80000xf32, #tpu.memory_space<vmem_shared>>, %arg17: memref<!tpu.dma_semaphore, #tpu.memory_space<semaphore_mem>>) attributes {dimension_semantics = [#tpu.dimension_semantics<core_parallel>, #tpu.dimension_semantics<subcore_parallel>], iteration_bounds = array<i64: 2, 16>, scalar_prefetch = 0 : i64, scratch_operands = 9 : i64, tpu.core_type = #tpu.core_type<sc_vector_subcore>, window_params = [{transform_indices = #map}, {transform_indices = #map}, {transform_indices = #map}, {transform_indices = #map}, {transform_indices = #map}, {transform_indices = #map}, {transform_indices = #map}]} {
    %mul3A = arith.constant 2 : i32
    %mul3A_0 = arith.muli %arg1, %mul3A : i32
    %add3A = arith.addi %mul3A_0, %arg0 : i32
    "tpu.region"() ({
      %run_scoped3A = tpu.sem_alloc : memref<!tpu.dma_semaphore, #tpu.memory_space<semaphore_mem>>
      %dma_start3A = arith.constant 0 : i32
      %dma_start3A_134 = tpu.memref_slice %arg11[%dma_start3A] : memref<10000xf32, #tpu.memory_space<vmem>> -> memref<5000xf32, #tpu.memory_space<vmem>>
      %dma_start3A_135 = arith.constant 0 : i32
      %dma_start3A_136 = tpu.memref_slice %arg11[%dma_start3A_135] : memref<10000xf32, #tpu.memory_space<vmem>> -> memref<5000xf32, #tpu.memory_space<vmem>>
      tpu.enqueue_dma source(%arg5 : memref<5000xf32, #tpu.memory_space<hbm>>) target(%dma_start3A_136 : memref<5000xf32, #tpu.memory_space<vmem>>) target_semaphore(%run_scoped3A : memref<!tpu.dma_semaphore, #tpu.memory_space<semaphore_mem>>)
      %dma_wait3A_137 = arith.constant 0 : i32
      %dma_wait3A_138 = tpu.memref_slice %arg11[%dma_wait3A_137] : memref<10000xf32, #tpu.memory_space<vmem>> -> memref<5000xf32, #tpu.memory_space<vmem>>
      %dma_wait3A_139 = arith.constant 0 : i32
      %dma_wait3A_140 = tpu.memref_slice %arg11[%dma_wait3A_139] : memref<10000xf32, #tpu.memory_space<vmem>> -> memref<5000xf32, #tpu.memory_space<vmem>>
      tpu.wait_dma2 semaphore(%run_scoped3A : memref<!tpu.dma_semaphore, #tpu.memory_space<semaphore_mem>>) src(%arg5 : memref<5000xf32, #tpu.memory_space<hbm>>) dst(%dma_wait3A_140 : memref<5000xf32, #tpu.memory_space<vmem>>)
      tpu.yield
    }) : () -> ()
    %mul3A_1 = arith.constant 5000 : i32
    %mul3A_2 = arith.muli %arg1, %mul3A_1 : i32
    "tpu.region"() ({
      %run_scoped3A = tpu.sem_alloc : memref<!tpu.dma_semaphore, #tpu.memory_space<semaphore_mem>>
      %dma_start3A = arith.constant 0 : i32
      %dma_start3A_134 = tpu.memref_slice %arg11[%dma_start3A] : memref<10000xf32, #tpu.memory_space<vmem>> -> memref<5000xf32, #tpu.memory_space<vmem>>
      %dma_start3A_135 = tpu.memref_slice %arg16[%mul3A_2] : memref<80000xf32, #tpu.memory_space<vmem_shared>> -> memref<5000xf32, #tpu.memory_space<vmem_shared>>
      %dma_start3A_136 = tpu.memref_slice %arg16[%mul3A_2] : memref<80000xf32, #tpu.memory_space<vmem_shared>> -> memref<5000xf32, #tpu.memory_space<vmem_shared>>
      %dma_start3A_137 = arith.constant 0 : i32
      %dma_start3A_138 = tpu.memref_slice %arg11[%dma_start3A_137] : memref<10000xf32, #tpu.memory_space<vmem>> -> memref<5000xf32, #tpu.memory_space<vmem>>
      tpu.enqueue_dma source(%dma_start3A_138 : memref<5000xf32, #tpu.memory_space<vmem>>) target(%dma_start3A_136 : memref<5000xf32, #tpu.memory_space<vmem_shared>>) target_semaphore(%run_scoped3A : memref<!tpu.dma_semaphore, #tpu.memory_space<semaphore_mem>>)
      %dma_wait3A_139 = arith.constant 0 : i32
      %dma_wait3A_140 = tpu.memref_slice %arg11[%dma_wait3A_139] : memref<10000xf32, #tpu.memory_space<vmem>> -> memref<5000xf32, #tpu.memory_space<vmem>>
      %dma_wait3A_141 = tpu.memref_slice %arg16[%mul3A_2] : memref<80000xf32, #tpu.memory_space<vmem_shared>> -> memref<5000xf32, #tpu.memory_space<vmem_shared>>
      %dma_wait3A_142 = tpu.memref_slice %arg16[%mul3A_2] : memref<80000xf32, #tpu.memory_space<vmem_shared>> -> memref<5000xf32, #tpu.memory_space<vmem_shared>>
      %dma_wait3A_143 = arith.constant 0 : i32
      %dma_wait3A_144 = tpu.memref_slice %arg11[%dma_wait3A_143] : memref<10000xf32, #tpu.memory_space<vmem>> -> memref<5000xf32, #tpu.memory_space<vmem>>
      tpu.wait_dma2 semaphore(%run_scoped3A : memref<!tpu.dma_semaphore, #tpu.memory_space<semaphore_mem>>) src(%dma_wait3A_144 : memref<5000xf32, #tpu.memory_space<vmem>>) dst(%dma_wait3A_142 : memref<5000xf32, #tpu.memory_space<vmem_shared>>)
      tpu.yield
    }) : () -> ()
    %broadcast_in_dim3A = arith.constant 1.000000e+00 : f32
    %broadcast_in_dim3A_3 = vector.broadcast %broadcast_in_dim3A : f32 to vector<16xf32>
    %swap3A = arith.constant 0 : index
    %swap3A_4 = tpu.vector_load %arg13[%swap3A] {strides = array<i32>} : memref<80xf32, #tpu.memory_space<vmem>>, vector<16xf32>,
    %swap3A_5 = vector.shape_cast %swap3A_4 : vector<16xf32> to vector<16xf32>
    %swap3A_6 = vector.shape_cast %broadcast_in_dim3A_3 : vector<16xf32> to vector<16xf32>
    tpu.vector_store %arg13[%swap3A], %swap3A_6 {strides = array<i32>} : memref<80xf32, #tpu.memory_space<vmem>>, vector<16xf32>,
    %broadcast_in_dim3A_7 = arith.constant 0 : i32
    %broadcast_in_dim3A_8 = vector.broadcast %broadcast_in_dim3A_7 : i32 to vector<16xi32>
    %swap3A_9 = arith.constant 0 : index
    %swap3A_10 = tpu.vector_load %arg14[%swap3A_9] {strides = array<i32>} : memref<80xi32, #tpu.memory_space<vmem>>, vector<16xi32>,
    %swap3A_11 = vector.shape_cast %swap3A_10 : vector<16xi32> to vector<16xi32>
    %swap3A_12 = vector.shape_cast %broadcast_in_dim3A_8 : vector<16xi32> to vector<16xi32>
    tpu.vector_store %arg14[%swap3A_9], %swap3A_12 {strides = array<i32>} : memref<80xi32, #tpu.memory_space<vmem>>, vector<16xi32>,
    %broadcast_in_dim3A_13 = arith.constant 0.000000e+00 : f32
    %broadcast_in_dim3A_14 = vector.broadcast %broadcast_in_dim3A_13 : f32 to vector<16xf32>
    %swap3A_15 = arith.constant 0 : index
    %swap3A_16 = tpu.vector_load %arg15[%swap3A_15] {strides = array<i32>} : memref<80xf32, #tpu.memory_space<vmem>>, vector<16xf32>,
    %swap3A_17 = vector.shape_cast %swap3A_16 : vector<16xf32> to vector<16xf32>
    %swap3A_18 = vector.shape_cast %broadcast_in_dim3A_14 : vector<16xf32> to vector<16xf32>
    tpu.vector_store %arg15[%swap3A_15], %swap3A_18 {strides = array<i32>} : memref<80xf32, #tpu.memory_space<vmem>>, vector<16xf32>,
    %broadcast_in_dim3A_19 = arith.constant 1.000000e+00 : f32
    %broadcast_in_dim3A_20 = vector.broadcast %broadcast_in_dim3A_19 : f32 to vector<16xf32>
    %swap3A_21 = arith.constant 16 : index
    %swap3A_22 = tpu.vector_load %arg13[%swap3A_21] {strides = array<i32>} : memref<80xf32, #tpu.memory_space<vmem>>, vector<16xf32>,
    %swap3A_23 = vector.shape_cast %swap3A_22 : vector<16xf32> to vector<16xf32>
    %swap3A_24 = vector.shape_cast %broadcast_in_dim3A_20 : vector<16xf32> to vector<16xf32>
    tpu.vector_store %arg13[%swap3A_21], %swap3A_24 {strides = array<i32>} : memref<80xf32, #tpu.memory_space<vmem>>, vector<16xf32>,
    %broadcast_in_dim3A_25 = arith.constant 0 : i32
    %broadcast_in_dim3A_26 = vector.broadcast %broadcast_in_dim3A_25 : i32 to vector<16xi32>
    %swap3A_27 = arith.constant 16 : index
    %swap3A_28 = tpu.vector_load %arg14[%swap3A_27] {strides = array<i32>} : memref<80xi32, #tpu.memory_space<vmem>>, vector<16xi32>,
    %swap3A_29 = vector.shape_cast %swap3A_28 : vector<16xi32> to vector<16xi32>
    %swap3A_30 = vector.shape_cast %broadcast_in_dim3A_26 : vector<16xi32> to vector<16xi32>
    tpu.vector_store %arg14[%swap3A_27], %swap3A_30 {strides = array<i32>} : memref<80xi32, #tpu.memory_space<vmem>>, vector<16xi32>,
    %broadcast_in_dim3A_31 = arith.constant 0.000000e+00 : f32
    %broadcast_in_dim3A_32 = vector.broadcast %broadcast_in_dim3A_31 : f32 to vector<16xf32>
    %swap3A_33 = arith.constant 16 : index
    %swap3A_34 = tpu.vector_load %arg15[%swap3A_33] {strides = array<i32>} : memref<80xf32, #tpu.memory_space<vmem>>, vector<16xf32>,
    %swap3A_35 = vector.shape_cast %swap3A_34 : vector<16xf32> to vector<16xf32>
    %swap3A_36 = vector.shape_cast %broadcast_in_dim3A_32 : vector<16xf32> to vector<16xf32>
    tpu.vector_store %arg15[%swap3A_33], %swap3A_36 {strides = array<i32>} : memref<80xf32, #tpu.memory_space<vmem>>, vector<16xf32>,
    %broadcast_in_dim3A_37 = arith.constant 1.000000e+00 : f32
    %broadcast_in_dim3A_38 = vector.broadcast %broadcast_in_dim3A_37 : f32 to vector<16xf32>
    %swap3A_39 = arith.constant 32 : index
    %swap3A_40 = tpu.vector_load %arg13[%swap3A_39] {strides = array<i32>} : memref<80xf32, #tpu.memory_space<vmem>>, vector<16xf32>,
    %swap3A_41 = vector.shape_cast %swap3A_40 : vector<16xf32> to vector<16xf32>
    %swap3A_42 = vector.shape_cast %broadcast_in_dim3A_38 : vector<16xf32> to vector<16xf32>
    tpu.vector_store %arg13[%swap3A_39], %swap3A_42 {strides = array<i32>} : memref<80xf32, #tpu.memory_space<vmem>>, vector<16xf32>,
    %broadcast_in_dim3A_43 = arith.constant 0 : i32
    %broadcast_in_dim3A_44 = vector.broadcast %broadcast_in_dim3A_43 : i32 to vector<16xi32>
    %swap3A_45 = arith.constant 32 : index
    %swap3A_46 = tpu.vector_load %arg14[%swap3A_45] {strides = array<i32>} : memref<80xi32, #tpu.memory_space<vmem>>, vector<16xi32>,
    %swap3A_47 = vector.shape_cast %swap3A_46 : vector<16xi32> to vector<16xi32>
    %swap3A_48 = vector.shape_cast %broadcast_in_dim3A_44 : vector<16xi32> to vector<16xi32>
    tpu.vector_store %arg14[%swap3A_45], %swap3A_48 {strides = array<i32>} : memref<80xi32, #tpu.memory_space<vmem>>, vector<16xi32>,
    %broadcast_in_dim3A_49 = arith.constant 0.000000e+00 : f32
    %broadcast_in_dim3A_50 = vector.broadcast %broadcast_in_dim3A_49 : f32 to vector<16xf32>
    %swap3A_51 = arith.constant 32 : index
    %swap3A_52 = tpu.vector_load %arg15[%swap3A_51] {strides = array<i32>} : memref<80xf32, #tpu.memory_space<vmem>>, vector<16xf32>,
    %swap3A_53 = vector.shape_cast %swap3A_52 : vector<16xf32> to vector<16xf32>
    %swap3A_54 = vector.shape_cast %broadcast_in_dim3A_50 : vector<16xf32> to vector<16xf32>
    tpu.vector_store %arg15[%swap3A_51], %swap3A_54 {strides = array<i32>} : memref<80xf32, #tpu.memory_space<vmem>>, vector<16xf32>,
    %broadcast_in_dim3A_55 = arith.constant 1.000000e+00 : f32
    %broadcast_in_dim3A_56 = vector.broadcast %broadcast_in_dim3A_55 : f32 to vector<16xf32>
    %swap3A_57 = arith.constant 48 : index
    %swap3A_58 = tpu.vector_load %arg13[%swap3A_57] {strides = array<i32>} : memref<80xf32, #tpu.memory_space<vmem>>, vector<16xf32>,
    %swap3A_59 = vector.shape_cast %swap3A_58 : vector<16xf32> to vector<16xf32>
    %swap3A_60 = vector.shape_cast %broadcast_in_dim3A_56 : vector<16xf32> to vector<16xf32>
    tpu.vector_store %arg13[%swap3A_57], %swap3A_60 {strides = array<i32>} : memref<80xf32, #tpu.memory_space<vmem>>, vector<16xf32>,
    %broadcast_in_dim3A_61 = arith.constant 0 : i32
    %broadcast_in_dim3A_62 = vector.broadcast %broadcast_in_dim3A_61 : i32 to vector<16xi32>
    %swap3A_63 = arith.constant 48 : index
    %swap3A_64 = tpu.vector_load %arg14[%swap3A_63] {strides = array<i32>} : memref<80xi32, #tpu.memory_space<vmem>>, vector<16xi32>,
    %swap3A_65 = vector.shape_cast %swap3A_64 : vector<16xi32> to vector<16xi32>
    %swap3A_66 = vector.shape_cast %broadcast_in_dim3A_62 : vector<16xi32> to vector<16xi32>
    tpu.vector_store %arg14[%swap3A_63], %swap3A_66 {strides = array<i32>} : memref<80xi32, #tpu.memory_space<vmem>>, vector<16xi32>,
    %broadcast_in_dim3A_67 = arith.constant 0.000000e+00 : f32
    %broadcast_in_dim3A_68 = vector.broadcast %broadcast_in_dim3A_67 : f32 to vector<16xf32>
    %swap3A_69 = arith.constant 48 : index
    %swap3A_70 = tpu.vector_load %arg15[%swap3A_69] {strides = array<i32>} : memref<80xf32, #tpu.memory_space<vmem>>, vector<16xf32>,
    %swap3A_71 = vector.shape_cast %swap3A_70 : vector<16xf32> to vector<16xf32>
    %swap3A_72 = vector.shape_cast %broadcast_in_dim3A_68 : vector<16xf32> to vector<16xf32>
    tpu.vector_store %arg15[%swap3A_69], %swap3A_72 {strides = array<i32>} : memref<80xf32, #tpu.memory_space<vmem>>, vector<16xf32>,
    %broadcast_in_dim3A_73 = arith.constant 1.000000e+00 : f32
    %broadcast_in_dim3A_74 = vector.broadcast %broadcast_in_dim3A_73 : f32 to vector<16xf32>
    %swap3A_75 = arith.constant 64 : index
    %swap3A_76 = tpu.vector_load %arg13[%swap3A_75] {strides = array<i32>} : memref<80xf32, #tpu.memory_space<vmem>>, vector<16xf32>,
    %swap3A_77 = vector.shape_cast %swap3A_76 : vector<16xf32> to vector<16xf32>
    %swap3A_78 = vector.shape_cast %broadcast_in_dim3A_74 : vector<16xf32> to vector<16xf32>
    tpu.vector_store %arg13[%swap3A_75], %swap3A_78 {strides = array<i32>} : memref<80xf32, #tpu.memory_space<vmem>>, vector<16xf32>,
    %broadcast_in_dim3A_79 = arith.constant 0 : i32
    %broadcast_in_dim3A_80 = vector.broadcast %broadcast_in_dim3A_79 : i32 to vector<16xi32>
    %swap3A_81 = arith.constant 64 : index
    %swap3A_82 = tpu.vector_load %arg14[%swap3A_81] {strides = array<i32>} : memref<80xi32, #tpu.memory_space<vmem>>, vector<16xi32>,
    %swap3A_83 = vector.shape_cast %swap3A_82 : vector<16xi32> to vector<16xi32>
    %swap3A_84 = vector.shape_cast %broadcast_in_dim3A_80 : vector<16xi32> to vector<16xi32>
    tpu.vector_store %arg14[%swap3A_81], %swap3A_84 {strides = array<i32>} : memref<80xi32, #tpu.memory_space<vmem>>, vector<16xi32>,
    %broadcast_in_dim3A_85 = arith.constant 0.000000e+00 : f32
    %broadcast_in_dim3A_86 = vector.broadcast %broadcast_in_dim3A_85 : f32 to vector<16xf32>
    %swap3A_87 = arith.constant 64 : index
    %swap3A_88 = tpu.vector_load %arg15[%swap3A_87] {strides = array<i32>} : memref<80xf32, #tpu.memory_space<vmem>>, vector<16xf32>,
    %swap3A_89 = vector.shape_cast %swap3A_88 : vector<16xf32> to vector<16xf32>
    %swap3A_90 = vector.shape_cast %broadcast_in_dim3A_86 : vector<16xf32> to vector<16xf32>
    tpu.vector_store %arg15[%swap3A_87], %swap3A_90 {strides = array<i32>} : memref<80xf32, #tpu.memory_space<vmem>>, vector<16xf32>,
    %mul3A_91 = arith.constant 20000 : i32
    %mul3A_92 = arith.muli %arg1, %mul3A_91 : i32
    "tpu.region"() ({
      %run_scoped3A = tpu.sem_alloc : memref<!tpu.dma_semaphore, #tpu.memory_space<semaphore_mem>>
      %dma_start3A = arith.constant 0 : i32
      %dma_start3A_134 = tpu.memref_slice %arg9[%dma_start3A] : memref<40000xi32, #tpu.memory_space<vmem>> -> memref<20000xi32, #tpu.memory_space<vmem>>
      %dma_start3A_135 = tpu.memref_slice %arg3[%mul3A_92] : memref<320000xi32, #tpu.memory_space<hbm>> -> memref<20000xi32, #tpu.memory_space<hbm>>
      %dma_start3A_136 = arith.constant 0 : i32
      %dma_start3A_137 = tpu.memref_slice %arg9[%dma_start3A_136] : memref<40000xi32, #tpu.memory_space<vmem>> -> memref<20000xi32, #tpu.memory_space<vmem>>
      %dma_start3A_138 = tpu.memref_slice %arg3[%mul3A_92] : memref<320000xi32, #tpu.memory_space<hbm>> -> memref<20000xi32, #tpu.memory_space<hbm>>
      tpu.enqueue_dma source(%dma_start3A_138 : memref<20000xi32, #tpu.memory_space<hbm>>) target(%dma_start3A_137 : memref<20000xi32, #tpu.memory_space<vmem>>) target_semaphore(%run_scoped3A : memref<!tpu.dma_semaphore, #tpu.memory_space<semaphore_mem>>)
      %dma_wait3A_139 = arith.constant 0 : i32
      %dma_wait3A_140 = tpu.memref_slice %arg9[%dma_wait3A_139] : memref<40000xi32, #tpu.memory_space<vmem>> -> memref<20000xi32, #tpu.memory_space<vmem>>
      %dma_wait3A_141 = tpu.memref_slice %arg3[%mul3A_92] : memref<320000xi32, #tpu.memory_space<hbm>> -> memref<20000xi32, #tpu.memory_space<hbm>>
      %dma_wait3A_142 = arith.constant 0 : i32
      %dma_wait3A_143 = tpu.memref_slice %arg9[%dma_wait3A_142] : memref<40000xi32, #tpu.memory_space<vmem>> -> memref<20000xi32, #tpu.memory_space<vmem>>
      %dma_wait3A_144 = tpu.memref_slice %arg3[%mul3A_92] : memref<320000xi32, #tpu.memory_space<hbm>> -> memref<20000xi32, #tpu.memory_space<hbm>>
      tpu.wait_dma2 semaphore(%run_scoped3A : memref<!tpu.dma_semaphore, #tpu.memory_space<semaphore_mem>>) src(%dma_wait3A_144 : memref<20000xi32, #tpu.memory_space<hbm>>) dst(%dma_wait3A_143 : memref<20000xi32, #tpu.memory_space<vmem>>)
      tpu.yield
    }) : () -> ()
    "tpu.region"() ({
      %run_scoped3A = tpu.sem_alloc : memref<!tpu.dma_semaphore, #tpu.memory_space<semaphore_mem>>
      %dma_start3A = arith.constant 20000 : i32
      %dma_start3A_134 = tpu.memref_slice %arg9[%dma_start3A] : memref<40000xi32, #tpu.memory_space<vmem>> -> memref<20000xi32, #tpu.memory_space<vmem>>
      %dma_start3A_135 = tpu.memref_slice %arg4[%mul3A_92] : memref<320000xi32, #tpu.memory_space<hbm>> -> memref<20000xi32, #tpu.memory_space<hbm>>
      %dma_start3A_136 = arith.constant 20000 : i32
      %dma_start3A_137 = tpu.memref_slice %arg9[%dma_start3A_136] : memref<40000xi32, #tpu.memory_space<vmem>> -> memref<20000xi32, #tpu.memory_space<vmem>>
      %dma_start3A_138 = tpu.memref_slice %arg4[%mul3A_92] : memref<320000xi32, #tpu.memory_space<hbm>> -> memref<20000xi32, #tpu.memory_space<hbm>>
      tpu.enqueue_dma source(%dma_start3A_138 : memref<20000xi32, #tpu.memory_space<hbm>>) target(%dma_start3A_137 : memref<20000xi32, #tpu.memory_space<vmem>>) target_semaphore(%run_scoped3A : memref<!tpu.dma_semaphore, #tpu.memory_space<semaphore_mem>>)
      %dma_wait3A_139 = arith.constant 20000 : i32
      %dma_wait3A_140 = tpu.memref_slice %arg9[%dma_wait3A_139] : memref<40000xi32, #tpu.memory_space<vmem>> -> memref<20000xi32, #tpu.memory_space<vmem>>
      %dma_wait3A_141 = tpu.memref_slice %arg4[%mul3A_92] : memref<320000xi32, #tpu.memory_space<hbm>> -> memref<20000xi32, #tpu.memory_space<hbm>>
      %dma_wait3A_142 = arith.constant 20000 : i32
      %dma_wait3A_143 = tpu.memref_slice %arg9[%dma_wait3A_142] : memref<40000xi32, #tpu.memory_space<vmem>> -> memref<20000xi32, #tpu.memory_space<vmem>>
      %dma_wait3A_144 = tpu.memref_slice %arg4[%mul3A_92] : memref<320000xi32, #tpu.memory_space<hbm>> -> memref<20000xi32, #tpu.memory_space<hbm>>
      tpu.wait_dma2 semaphore(%run_scoped3A : memref<!tpu.dma_semaphore, #tpu.memory_space<semaphore_mem>>) src(%dma_wait3A_144 : memref<20000xi32, #tpu.memory_space<hbm>>) dst(%dma_wait3A_143 : memref<20000xi32, #tpu.memory_space<vmem>>)
      tpu.yield
    }) : () -> ()
    %barrier3A = arith.constant 0 : index
    tpu.barrier barrier_id(%barrier3A)
    %scan3A = arith.constant 0 : i32
    %scan3A_93 = arith.constant 0 : i32
    %scan3A_94 = arith.constant 250 : i32
    %scan3A_95 = arith.addi %scan3A_93, %scan3A_94 : i32
    %scan3A_96 = arith.constant 1 : i32
    scf.for %scan3A_134 = %scan3A_93 to %scan3A_95 step %scan3A_96  : i32 {
      %mul3A_135 = arith.constant 80 : i32
      %mul3A_136 = arith.muli %scan3A_134, %mul3A_135 : i32
      %add3A_137 = arith.constant 0 : i32
      %add3A_138 = arith.addi %mul3A_136, %add3A_137 : i32
      %get3A = arith.index_cast %add3A_138 : i32 to index
      %get3A_139 = tpu.vector_load %arg9[%get3A] {strides = array<i32>} : memref<40000xi32, #tpu.memory_space<vmem>>, vector<16xi32>,
      %get3A_140 = vector.shape_cast %get3A_139 : vector<16xi32> to vector<16xi32>
      %add3A_141 = arith.constant 20000 : i32
      %add3A_142 = arith.addi %add3A_141, %add3A_138 : i32
      %get3A_143 = arith.index_cast %add3A_142 : i32 to index
      %get3A_144 = tpu.vector_load %arg9[%get3A_143] {strides = array<i32>} : memref<40000xi32, #tpu.memory_space<vmem>>, vector<16xi32>,
      %get3A_145 = vector.shape_cast %get3A_144 : vector<16xi32> to vector<16xi32>
      %mul3A_146 = arith.constant 8 : i32
      %mul3A_147 = vector.broadcast %mul3A_146 : i32 to vector<16xi32>
      %mul3A_148 = arith.muli %get3A_140, %mul3A_147 : vector<16xi32>
      %add3A_149 = arith.addi %mul3A_148, %get3A_145 : vector<16xi32>
      %swap3A_150 = arith.index_cast %scan3A_134 : i32 to index
      %swap3A_151 = arith.constant 0 : index
      %swap3A_152 = tpu.vector_load %arg10[%swap3A_150, %swap3A_151] {strides = array<i32>} : memref<250x80xi32, #tpu.memory_space<vmem>>, vector<1x16xi32>,
      %swap3A_153 = vector.shape_cast %swap3A_152 : vector<1x16xi32> to vector<16xi32>
      %swap3A_154 = vector.shape_cast %add3A_149 : vector<16xi32> to vector<1x16xi32>
      tpu.vector_store %arg10[%swap3A_150, %swap3A_151], %swap3A_154 {strides = array<i32>} : memref<250x80xi32, #tpu.memory_space<vmem>>, vector<1x16xi32>,
      %mul3A_155 = arith.constant 80 : i32
      %mul3A_156 = arith.muli %scan3A_134, %mul3A_155 : i32
      %add3A_157 = arith.constant 16 : i32
      %add3A_158 = arith.addi %mul3A_156, %add3A_157 : i32
      %get3A_159 = arith.index_cast %add3A_158 : i32 to index
      %get3A_160 = tpu.vector_load %arg9[%get3A_159] {strides = array<i32>} : memref<40000xi32, #tpu.memory_space<vmem>>, vector<16xi32>,
      %get3A_161 = vector.shape_cast %get3A_160 : vector<16xi32> to vector<16xi32>
      %add3A_162 = arith.constant 20000 : i32
      %add3A_163 = arith.addi %add3A_162, %add3A_158 : i32
      %get3A_164 = arith.index_cast %add3A_163 : i32 to index
      %get3A_165 = tpu.vector_load %arg9[%get3A_164] {strides = array<i32>} : memref<40000xi32, #tpu.memory_space<vmem>>, vector<16xi32>,
      %get3A_166 = vector.shape_cast %get3A_165 : vector<16xi32> to vector<16xi32>
      %mul3A_167 = arith.constant 8 : i32
      %mul3A_168 = vector.broadcast %mul3A_167 : i32 to vector<16xi32>
      %mul3A_169 = arith.muli %get3A_161, %mul3A_168 : vector<16xi32>
      %add3A_170 = arith.addi %mul3A_169, %get3A_166 : vector<16xi32>
      %swap3A_171 = arith.index_cast %scan3A_134 : i32 to index
      %swap3A_172 = arith.constant 16 : index
      %swap3A_173 = tpu.vector_load %arg10[%swap3A_171, %swap3A_172] {strides = array<i32>} : memref<250x80xi32, #tpu.memory_space<vmem>>, vector<1x16xi32>,
      %swap3A_174 = vector.shape_cast %swap3A_173 : vector<1x16xi32> to vector<16xi32>
      %swap3A_175 = vector.shape_cast %add3A_170 : vector<16xi32> to vector<1x16xi32>
      tpu.vector_store %arg10[%swap3A_171, %swap3A_172], %swap3A_175 {strides = array<i32>} : memref<250x80xi32, #tpu.memory_space<vmem>>, vector<1x16xi32>,
      %mul3A_176 = arith.constant 80 : i32
      %mul3A_177 = arith.muli %scan3A_134, %mul3A_176 : i32
      %add3A_178 = arith.constant 32 : i32
      %add3A_179 = arith.addi %mul3A_177, %add3A_178 : i32
      %get3A_180 = arith.index_cast %add3A_179 : i32 to index
      %get3A_181 = tpu.vector_load %arg9[%get3A_180] {strides = array<i32>} : memref<40000xi32, #tpu.memory_space<vmem>>, vector<16xi32>,
      %get3A_182 = vector.shape_cast %get3A_181 : vector<16xi32> to vector<16xi32>
      %add3A_183 = arith.constant 20000 : i32
      %add3A_184 = arith.addi %add3A_183, %add3A_179 : i32
      %get3A_185 = arith.index_cast %add3A_184 : i32 to index
      %get3A_186 = tpu.vector_load %arg9[%get3A_185] {strides = array<i32>} : memref<40000xi32, #tpu.memory_space<vmem>>, vector<16xi32>,
      %get3A_187 = vector.shape_cast %get3A_186 : vector<16xi32> to vector<16xi32>
      %mul3A_188 = arith.constant 8 : i32
      %mul3A_189 = vector.broadcast %mul3A_188 : i32 to vector<16xi32>
      %mul3A_190 = arith.muli %get3A_182, %mul3A_189 : vector<16xi32>
      %add3A_191 = arith.addi %mul3A_190, %get3A_187 : vector<16xi32>
      %swap3A_192 = arith.index_cast %scan3A_134 : i32 to index
      %swap3A_193 = arith.constant 32 : index
      %swap3A_194 = tpu.vector_load %arg10[%swap3A_192, %swap3A_193] {strides = array<i32>} : memref<250x80xi32, #tpu.memory_space<vmem>>, vector<1x16xi32>,
      %swap3A_195 = vector.shape_cast %swap3A_194 : vector<1x16xi32> to vector<16xi32>
      %swap3A_196 = vector.shape_cast %add3A_191 : vector<16xi32> to vector<1x16xi32>
      tpu.vector_store %arg10[%swap3A_192, %swap3A_193], %swap3A_196 {strides = array<i32>} : memref<250x80xi32, #tpu.memory_space<vmem>>, vector<1x16xi32>,
      %mul3A_197 = arith.constant 80 : i32
      %mul3A_198 = arith.muli %scan3A_134, %mul3A_197 : i32
      %add3A_199 = arith.constant 48 : i32
      %add3A_200 = arith.addi %mul3A_198, %add3A_199 : i32
      %get3A_201 = arith.index_cast %add3A_200 : i32 to index
      %get3A_202 = tpu.vector_load %arg9[%get3A_201] {strides = array<i32>} : memref<40000xi32, #tpu.memory_space<vmem>>, vector<16xi32>,
      %get3A_203 = vector.shape_cast %get3A_202 : vector<16xi32> to vector<16xi32>
      %add3A_204 = arith.constant 20000 : i32
      %add3A_205 = arith.addi %add3A_204, %add3A_200 : i32
      %get3A_206 = arith.index_cast %add3A_205 : i32 to index
      %get3A_207 = tpu.vector_load %arg9[%get3A_206] {strides = array<i32>} : memref<40000xi32, #tpu.memory_space<vmem>>, vector<16xi32>,
      %get3A_208 = vector.shape_cast %get3A_207 : vector<16xi32> to vector<16xi32>
      %mul3A_209 = arith.constant 8 : i32
      %mul3A_210 = vector.broadcast %mul3A_209 : i32 to vector<16xi32>
      %mul3A_211 = arith.muli %get3A_203, %mul3A_210 : vector<16xi32>
      %add3A_212 = arith.addi %mul3A_211, %get3A_208 : vector<16xi32>
      %swap3A_213 = arith.index_cast %scan3A_134 : i32 to index
      %swap3A_214 = arith.constant 48 : index
      %swap3A_215 = tpu.vector_load %arg10[%swap3A_213, %swap3A_214] {strides = array<i32>} : memref<250x80xi32, #tpu.memory_space<vmem>>, vector<1x16xi32>,
      %swap3A_216 = vector.shape_cast %swap3A_215 : vector<1x16xi32> to vector<16xi32>
      %swap3A_217 = vector.shape_cast %add3A_212 : vector<16xi32> to vector<1x16xi32>
      tpu.vector_store %arg10[%swap3A_213, %swap3A_214], %swap3A_217 {strides = array<i32>} : memref<250x80xi32, #tpu.memory_space<vmem>>, vector<1x16xi32>,
      %mul3A_218 = arith.constant 80 : i32
      %mul3A_219 = arith.muli %scan3A_134, %mul3A_218 : i32
      %add3A_220 = arith.constant 64 : i32
      %add3A_221 = arith.addi %mul3A_219, %add3A_220 : i32
      %get3A_222 = arith.index_cast %add3A_221 : i32 to index
      %get3A_223 = tpu.vector_load %arg9[%get3A_222] {strides = array<i32>} : memref<40000xi32, #tpu.memory_space<vmem>>, vector<16xi32>,
      %get3A_224 = vector.shape_cast %get3A_223 : vector<16xi32> to vector<16xi32>
      %add3A_225 = arith.constant 20000 : i32
      %add3A_226 = arith.addi %add3A_225, %add3A_221 : i32
      %get3A_227 = arith.index_cast %add3A_226 : i32 to index
      %get3A_228 = tpu.vector_load %arg9[%get3A_227] {strides = array<i32>} : memref<40000xi32, #tpu.memory_space<vmem>>, vector<16xi32>,
      %get3A_229 = vector.shape_cast %get3A_228 : vector<16xi32> to vector<16xi32>
      %mul3A_230 = arith.constant 8 : i32
      %mul3A_231 = vector.broadcast %mul3A_230 : i32 to vector<16xi32>
      %mul3A_232 = arith.muli %get3A_224, %mul3A_231 : vector<16xi32>
      %add3A_233 = arith.addi %mul3A_232, %get3A_229 : vector<16xi32>
      %swap3A_234 = arith.index_cast %scan3A_134 : i32 to index
      %swap3A_235 = arith.constant 64 : index
      %swap3A_236 = tpu.vector_load %arg10[%swap3A_234, %swap3A_235] {strides = array<i32>} : memref<250x80xi32, #tpu.memory_space<vmem>>, vector<1x16xi32>,
      %swap3A_237 = vector.shape_cast %swap3A_236 : vector<1x16xi32> to vector<16xi32>
      %swap3A_238 = vector.shape_cast %add3A_233 : vector<16xi32> to vector<1x16xi32>
      tpu.vector_store %arg10[%swap3A_234, %swap3A_235], %swap3A_238 {strides = array<i32>} : memref<250x80xi32, #tpu.memory_space<vmem>>, vector<1x16xi32>,
      %dma_start3A = arith.constant 0 : i32
      %dma_start3A_239 = tpu.memref_slice %arg10[%scan3A_134, %dma_start3A] : memref<250x80xi32, #tpu.memory_space<vmem>> -> memref<1x80xi32, #tpu.memory_space<vmem>>
      %dma_start3A_240 = tpu.memref_squeeze %dma_start3A_239 : memref<1x80xi32, #tpu.memory_space<vmem>> -> memref<80xi32, #tpu.memory_space<vmem>>
      %dma_start3A_241 = arith.constant 0 : i32
      %dma_start3A_242 = tpu.memref_slice %arg16[%dma_start3A_241] : memref<80000xf32, #tpu.memory_space<vmem_shared>> -> memref<80000xf32, #tpu.memory_space<vmem_shared>>
      tpu.enqueue_indirect_dma source(%arg13 : memref<80xf32, #tpu.memory_space<vmem>>) target(%dma_start3A_242 : memref<80000xf32, #tpu.memory_space<vmem_shared>>) offsets(%dma_start3A_240 : memref<80xi32, #tpu.memory_space<vmem>>) semaphore(%arg17 : memref<!tpu.dma_semaphore, #tpu.memory_space<semaphore_mem>>) {add = true}
    }
    %scan3A_97 = arith.constant 250 : i32
    %dma_wait3A = arith.constant 0 : i32
    %dma_wait3A_98 = tpu.memref_slice %arg9[%dma_wait3A] : memref<40000xi32, #tpu.memory_space<vmem>> -> memref<20000xi32, #tpu.memory_space<vmem>>
    %dma_wait3A_99 = tpu.memref_slice %arg3[%mul3A_92] : memref<320000xi32, #tpu.memory_space<hbm>> -> memref<20000xi32, #tpu.memory_space<hbm>>
    %dma_wait3A_100 = arith.constant 0 : i32
    %dma_wait3A_101 = tpu.memref_slice %arg9[%dma_wait3A_100] : memref<40000xi32, #tpu.memory_space<vmem>> -> memref<20000xi32, #tpu.memory_space<vmem>>
    %dma_wait3A_102 = tpu.memref_slice %arg3[%mul3A_92] : memref<320000xi32, #tpu.memory_space<hbm>> -> memref<20000xi32, #tpu.memory_space<hbm>>
    tpu.wait_dma2 semaphore(%arg17 : memref<!tpu.dma_semaphore, #tpu.memory_space<semaphore_mem>>) src(%dma_wait3A_102 : memref<20000xi32, #tpu.memory_space<hbm>>) dst(%dma_wait3A_101 : memref<20000xi32, #tpu.memory_space<vmem>>)
    %barrier3A_103 = arith.constant 0 : index
    tpu.barrier barrier_id(%barrier3A_103)
    %mul3A_104 = arith.constant 10000 : i32
    %mul3A_105 = arith.muli %add3A, %mul3A_104 : i32
    "tpu.region"() ({
      %run_scoped3A = tpu.sem_alloc : memref<!tpu.dma_semaphore, #tpu.memory_space<semaphore_mem>>
      %dma_start3A = arith.constant 0 : i32
      %dma_start3A_134 = tpu.memref_slice %arg9[%dma_start3A] : memref<40000xi32, #tpu.memory_space<vmem>> -> memref<10000xi32, #tpu.memory_space<vmem>>
      %dma_start3A_135 = tpu.memref_slice %arg2[%mul3A_105] : memref<320000xi32, #tpu.memory_space<hbm>> -> memref<10000xi32, #tpu.memory_space<hbm>>
      %dma_start3A_136 = arith.constant 0 : i32
      %dma_start3A_137 = tpu.memref_slice %arg9[%dma_start3A_136] : memref<40000xi32, #tpu.memory_space<vmem>> -> memref<10000xi32, #tpu.memory_space<vmem>>
      %dma_start3A_138 = tpu.memref_slice %arg2[%mul3A_105] : memref<320000xi32, #tpu.memory_space<hbm>> -> memref<10000xi32, #tpu.memory_space<hbm>>
      tpu.enqueue_dma source(%dma_start3A_138 : memref<10000xi32, #tpu.memory_space<hbm>>) target(%dma_start3A_137 : memref<10000xi32, #tpu.memory_space<vmem>>) target_semaphore(%run_scoped3A : memref<!tpu.dma_semaphore, #tpu.memory_space<semaphore_mem>>)
      %dma_wait3A_139 = arith.constant 0 : i32
      %dma_wait3A_140 = tpu.memref_slice %arg9[%dma_wait3A_139] : memref<40000xi32, #tpu.memory_space<vmem>> -> memref<10000xi32, #tpu.memory_space<vmem>>
      %dma_wait3A_141 = tpu.memref_slice %arg2[%mul3A_105] : memref<320000xi32, #tpu.memory_space<hbm>> -> memref<10000xi32, #tpu.memory_space<hbm>>
      %dma_wait3A_142 = arith.constant 0 : i32
      %dma_wait3A_143 = tpu.memref_slice %arg9[%dma_wait3A_142] : memref<40000xi32, #tpu.memory_space<vmem>> -> memref<10000xi32, #tpu.memory_space<vmem>>
      %dma_wait3A_144 = tpu.memref_slice %arg2[%mul3A_105] : memref<320000xi32, #tpu.memory_space<hbm>> -> memref<10000xi32, #tpu.memory_space<hbm>>
      tpu.wait_dma2 semaphore(%run_scoped3A : memref<!tpu.dma_semaphore, #tpu.memory_space<semaphore_mem>>) src(%dma_wait3A_144 : memref<10000xi32, #tpu.memory_space<hbm>>) dst(%dma_wait3A_143 : memref<10000xi32, #tpu.memory_space<vmem>>)
      tpu.yield
    }) : () -> ()
    "tpu.region"() ({
      %run_scoped3A = tpu.sem_alloc : memref<!tpu.dma_semaphore, #tpu.memory_space<semaphore_mem>>
      %dma_start3A = arith.constant 10000 : i32
      %dma_start3A_134 = tpu.memref_slice %arg9[%dma_start3A] : memref<40000xi32, #tpu.memory_space<vmem>> -> memref<10000xi32, #tpu.memory_space<vmem>>
      %dma_start3A_135 = tpu.memref_slice %arg3[%mul3A_105] : memref<320000xi32, #tpu.memory_space<hbm>> -> memref<10000xi32, #tpu.memory_space<hbm>>
      %dma_start3A_136 = arith.constant 10000 : i32
      %dma_start3A_137 = tpu.memref_slice %arg9[%dma_start3A_136] : memref<40000xi32, #tpu.memory_space<vmem>> -> memref<10000xi32, #tpu.memory_space<vmem>>
      %dma_start3A_138 = tpu.memref_slice %arg3[%mul3A_105] : memref<320000xi32, #tpu.memory_space<hbm>> -> memref<10000xi32, #tpu.memory_space<hbm>>
      tpu.enqueue_dma source(%dma_start3A_138 : memref<10000xi32, #tpu.memory_space<hbm>>) target(%dma_start3A_137 : memref<10000xi32, #tpu.memory_space<vmem>>) target_semaphore(%run_scoped3A : memref<!tpu.dma_semaphore, #tpu.memory_space<semaphore_mem>>)
      %dma_wait3A_139 = arith.constant 10000 : i32
      %dma_wait3A_140 = tpu.memref_slice %arg9[%dma_wait3A_139] : memref<40000xi32, #tpu.memory_space<vmem>> -> memref<10000xi32, #tpu.memory_space<vmem>>
      %dma_wait3A_141 = tpu.memref_slice %arg3[%mul3A_105] : memref<320000xi32, #tpu.memory_space<hbm>> -> memref<10000xi32, #tpu.memory_space<hbm>>
      %dma_wait3A_142 = arith.constant 10000 : i32
      %dma_wait3A_143 = tpu.memref_slice %arg9[%dma_wait3A_142] : memref<40000xi32, #tpu.memory_space<vmem>> -> memref<10000xi32, #tpu.memory_space<vmem>>
      %dma_wait3A_144 = tpu.memref_slice %arg3[%mul3A_105] : memref<320000xi32, #tpu.memory_space<hbm>> -> memref<10000xi32, #tpu.memory_space<hbm>>
      tpu.wait_dma2 semaphore(%run_scoped3A : memref<!tpu.dma_semaphore, #tpu.memory_space<semaphore_mem>>) src(%dma_wait3A_144 : memref<10000xi32, #tpu.memory_space<hbm>>) dst(%dma_wait3A_143 : memref<10000xi32, #tpu.memory_space<vmem>>)
      tpu.yield
    }) : () -> ()
    "tpu.region"() ({
      %run_scoped3A = tpu.sem_alloc : memref<!tpu.dma_semaphore, #tpu.memory_space<semaphore_mem>>
      %dma_start3A = arith.constant 20000 : i32
      %dma_start3A_134 = tpu.memref_slice %arg9[%dma_start3A] : memref<40000xi32, #tpu.memory_space<vmem>> -> memref<10000xi32, #tpu.memory_space<vmem>>
      %dma_start3A_135 = tpu.memref_slice %arg4[%mul3A_105] : memref<320000xi32, #tpu.memory_space<hbm>> -> memref<10000xi32, #tpu.memory_space<hbm>>
      %dma_start3A_136 = arith.constant 20000 : i32
      %dma_start3A_137 = tpu.memref_slice %arg9[%dma_start3A_136] : memref<40000xi32, #tpu.memory_space<vmem>> -> memref<10000xi32, #tpu.memory_space<vmem>>
      %dma_start3A_138 = tpu.memref_slice %arg4[%mul3A_105] : memref<320000xi32, #tpu.memory_space<hbm>> -> memref<10000xi32, #tpu.memory_space<hbm>>
      tpu.enqueue_dma source(%dma_start3A_138 : memref<10000xi32, #tpu.memory_space<hbm>>) target(%dma_start3A_137 : memref<10000xi32, #tpu.memory_space<vmem>>) target_semaphore(%run_scoped3A : memref<!tpu.dma_semaphore, #tpu.memory_space<semaphore_mem>>)
      %dma_wait3A_139 = arith.constant 20000 : i32
      %dma_wait3A_140 = tpu.memref_slice %arg9[%dma_wait3A_139] : memref<40000xi32, #tpu.memory_space<vmem>> -> memref<10000xi32, #tpu.memory_space<vmem>>
      %dma_wait3A_141 = tpu.memref_slice %arg4[%mul3A_105] : memref<320000xi32, #tpu.memory_space<hbm>> -> memref<10000xi32, #tpu.memory_space<hbm>>
      %dma_wait3A_142 = arith.constant 20000 : i32
      %dma_wait3A_143 = tpu.memref_slice %arg9[%dma_wait3A_142] : memref<40000xi32, #tpu.memory_space<vmem>> -> memref<10000xi32, #tpu.memory_space<vmem>>
      %dma_wait3A_144 = tpu.memref_slice %arg4[%mul3A_105] : memref<320000xi32, #tpu.memory_space<hbm>> -> memref<10000xi32, #tpu.memory_space<hbm>>
      tpu.wait_dma2 semaphore(%run_scoped3A : memref<!tpu.dma_semaphore, #tpu.memory_space<semaphore_mem>>) src(%dma_wait3A_144 : memref<10000xi32, #tpu.memory_space<hbm>>) dst(%dma_wait3A_143 : memref<10000xi32, #tpu.memory_space<vmem>>)
      tpu.yield
    }) : () -> ()
    %scan3A_106 = arith.constant 0 : i32
    %scan3A_107 = arith.constant 0 : i32
    %scan3A_108 = arith.constant 125 : i32
    %scan3A_109 = arith.addi %scan3A_107, %scan3A_108 : i32
    %scan3A_110 = arith.constant 1 : i32
    scf.for %scan3A_134 = %scan3A_107 to %scan3A_109 step %scan3A_110  : i32 {
      %mul3A_135 = arith.constant 80 : i32
      %mul3A_136 = arith.muli %scan3A_134, %mul3A_135 : i32
      %add3A_137 = arith.constant 0 : i32
      %add3A_138 = arith.addi %mul3A_136, %add3A_137 : i32
      %get3A = arith.index_cast %add3A_138 : i32 to index
      %get3A_139 = tpu.vector_load %arg9[%get3A] {strides = array<i32>} : memref<40000xi32, #tpu.memory_space<vmem>>, vector<16xi32>,
      %get3A_140 = vector.shape_cast %get3A_139 : vector<16xi32> to vector<16xi32>
      %add3A_141 = arith.constant 10000 : i32
      %add3A_142 = arith.addi %add3A_141, %add3A_138 : i32
      %get3A_143 = arith.index_cast %add3A_142 : i32 to index
      %get3A_144 = tpu.vector_load %arg9[%get3A_143] {strides = array<i32>} : memref<40000xi32, #tpu.memory_space<vmem>>, vector<16xi32>,
      %get3A_145 = vector.shape_cast %get3A_144 : vector<16xi32> to vector<16xi32>
      %add3A_146 = arith.constant 20000 : i32
      %add3A_147 = arith.addi %add3A_146, %add3A_138 : i32
      %get3A_148 = arith.index_cast %add3A_147 : i32 to index
      %get3A_149 = tpu.vector_load %arg9[%get3A_148] {strides = array<i32>} : memref<40000xi32, #tpu.memory_space<vmem>>, vector<16xi32>,
      %get3A_150 = vector.shape_cast %get3A_149 : vector<16xi32> to vector<16xi32>
      %mul3A_151 = arith.constant 8 : i32
      %mul3A_152 = vector.broadcast %mul3A_151 : i32 to vector<16xi32>
      %mul3A_153 = arith.muli %get3A_140, %mul3A_152 : vector<16xi32>
      %add3A_154 = arith.addi %mul3A_153, %get3A_150 : vector<16xi32>
      %add3A_155 = arith.constant 30000 : i32
      %add3A_156 = arith.addi %add3A_155, %add3A_138 : i32
      %swap3A_157 = arith.index_cast %add3A_156 : i32 to index
      %swap3A_158 = tpu.vector_load %arg9[%swap3A_157] {strides = array<i32>} : memref<40000xi32, #tpu.memory_space<vmem>>, vector<16xi32>,
      %swap3A_159 = vector.shape_cast %swap3A_158 : vector<16xi32> to vector<16xi32>
      %swap3A_160 = vector.shape_cast %add3A_154 : vector<16xi32> to vector<16xi32>
      tpu.vector_store %arg9[%swap3A_157], %swap3A_160 {strides = array<i32>} : memref<40000xi32, #tpu.memory_space<vmem>>, vector<16xi32>,
      %mul3A_161 = arith.constant 8 : i32
      %mul3A_162 = vector.broadcast %mul3A_161 : i32 to vector<16xi32>
      %mul3A_163 = arith.muli %get3A_145, %mul3A_162 : vector<16xi32>
      %add3A_164 = arith.addi %mul3A_163, %get3A_150 : vector<16xi32>
      %swap3A_165 = arith.index_cast %scan3A_134 : i32 to index
      %swap3A_166 = arith.constant 0 : index
      %swap3A_167 = tpu.vector_load %arg10[%swap3A_165, %swap3A_166] {strides = array<i32>} : memref<250x80xi32, #tpu.memory_space<vmem>>, vector<1x16xi32>,
      %swap3A_168 = vector.shape_cast %swap3A_167 : vector<1x16xi32> to vector<16xi32>
      %swap3A_169 = vector.shape_cast %add3A_164 : vector<16xi32> to vector<1x16xi32>
      tpu.vector_store %arg10[%swap3A_165, %swap3A_166], %swap3A_169 {strides = array<i32>} : memref<250x80xi32, #tpu.memory_space<vmem>>, vector<1x16xi32>,
      %mul3A_170 = arith.constant 80 : i32
      %mul3A_171 = arith.muli %scan3A_134, %mul3A_170 : i32
      %add3A_172 = arith.constant 16 : i32
      %add3A_173 = arith.addi %mul3A_171, %add3A_172 : i32
      %get3A_174 = arith.index_cast %add3A_173 : i32 to index
      %get3A_175 = tpu.vector_load %arg9[%get3A_174] {strides = array<i32>} : memref<40000xi32, #tpu.memory_space<vmem>>, vector<16xi32>,
      %get3A_176 = vector.shape_cast %get3A_175 : vector<16xi32> to vector<16xi32>
      %add3A_177 = arith.constant 10000 : i32
      %add3A_178 = arith.addi %add3A_177, %add3A_173 : i32
      %get3A_179 = arith.index_cast %add3A_178 : i32 to index
      %get3A_180 = tpu.vector_load %arg9[%get3A_179] {strides = array<i32>} : memref<40000xi32, #tpu.memory_space<vmem>>, vector<16xi32>,
      %get3A_181 = vector.shape_cast %get3A_180 : vector<16xi32> to vector<16xi32>
      %add3A_182 = arith.constant 20000 : i32
      %add3A_183 = arith.addi %add3A_182, %add3A_173 : i32
      %get3A_184 = arith.index_cast %add3A_183 : i32 to index
      %get3A_185 = tpu.vector_load %arg9[%get3A_184] {strides = array<i32>} : memref<40000xi32, #tpu.memory_space<vmem>>, vector<16xi32>,
      %get3A_186 = vector.shape_cast %get3A_185 : vector<16xi32> to vector<16xi32>
      %mul3A_187 = arith.constant 8 : i32
      %mul3A_188 = vector.broadcast %mul3A_187 : i32 to vector<16xi32>
      %mul3A_189 = arith.muli %get3A_176, %mul3A_188 : vector<16xi32>
      %add3A_190 = arith.addi %mul3A_189, %get3A_186 : vector<16xi32>
      %add3A_191 = arith.constant 30000 : i32
      %add3A_192 = arith.addi %add3A_191, %add3A_173 : i32
      %swap3A_193 = arith.index_cast %add3A_192 : i32 to index
      %swap3A_194 = tpu.vector_load %arg9[%swap3A_193] {strides = array<i32>} : memref<40000xi32, #tpu.memory_space<vmem>>, vector<16xi32>,
      %swap3A_195 = vector.shape_cast %swap3A_194 : vector<16xi32> to vector<16xi32>
      %swap3A_196 = vector.shape_cast %add3A_190 : vector<16xi32> to vector<16xi32>
      tpu.vector_store %arg9[%swap3A_193], %swap3A_196 {strides = array<i32>} : memref<40000xi32, #tpu.memory_space<vmem>>, vector<16xi32>,
      %mul3A_197 = arith.constant 8 : i32
      %mul3A_198 = vector.broadcast %mul3A_197 : i32 to vector<16xi32>
      %mul3A_199 = arith.muli %get3A_181, %mul3A_198 : vector<16xi32>
      %add3A_200 = arith.addi %mul3A_199, %get3A_186 : vector<16xi32>
      %swap3A_201 = arith.index_cast %scan3A_134 : i32 to index
      %swap3A_202 = arith.constant 16 : index
      %swap3A_203 = tpu.vector_load %arg10[%swap3A_201, %swap3A_202] {strides = array<i32>} : memref<250x80xi32, #tpu.memory_space<vmem>>, vector<1x16xi32>,
      %swap3A_204 = vector.shape_cast %swap3A_203 : vector<1x16xi32> to vector<16xi32>
      %swap3A_205 = vector.shape_cast %add3A_200 : vector<16xi32> to vector<1x16xi32>
      tpu.vector_store %arg10[%swap3A_201, %swap3A_202], %swap3A_205 {strides = array<i32>} : memref<250x80xi32, #tpu.memory_space<vmem>>, vector<1x16xi32>,
      %mul3A_206 = arith.constant 80 : i32
      %mul3A_207 = arith.muli %scan3A_134, %mul3A_206 : i32
      %add3A_208 = arith.constant 32 : i32
      %add3A_209 = arith.addi %mul3A_207, %add3A_208 : i32
      %get3A_210 = arith.index_cast %add3A_209 : i32 to index
      %get3A_211 = tpu.vector_load %arg9[%get3A_210] {strides = array<i32>} : memref<40000xi32, #tpu.memory_space<vmem>>, vector<16xi32>,
      %get3A_212 = vector.shape_cast %get3A_211 : vector<16xi32> to vector<16xi32>
      %add3A_213 = arith.constant 10000 : i32
      %add3A_214 = arith.addi %add3A_213, %add3A_209 : i32
      %get3A_215 = arith.index_cast %add3A_214 : i32 to index
      %get3A_216 = tpu.vector_load %arg9[%get3A_215] {strides = array<i32>} : memref<40000xi32, #tpu.memory_space<vmem>>, vector<16xi32>,
      %get3A_217 = vector.shape_cast %get3A_216 : vector<16xi32> to vector<16xi32>
      %add3A_218 = arith.constant 20000 : i32
      %add3A_219 = arith.addi %add3A_218, %add3A_209 : i32
      %get3A_220 = arith.index_cast %add3A_219 : i32 to index
      %get3A_221 = tpu.vector_load %arg9[%get3A_220] {strides = array<i32>} : memref<40000xi32, #tpu.memory_space<vmem>>, vector<16xi32>,
      %get3A_222 = vector.shape_cast %get3A_221 : vector<16xi32> to vector<16xi32>
      %mul3A_223 = arith.constant 8 : i32
      %mul3A_224 = vector.broadcast %mul3A_223 : i32 to vector<16xi32>
      %mul3A_225 = arith.muli %get3A_212, %mul3A_224 : vector<16xi32>
      %add3A_226 = arith.addi %mul3A_225, %get3A_222 : vector<16xi32>
      %add3A_227 = arith.constant 30000 : i32
      %add3A_228 = arith.addi %add3A_227, %add3A_209 : i32
      %swap3A_229 = arith.index_cast %add3A_228 : i32 to index
      %swap3A_230 = tpu.vector_load %arg9[%swap3A_229] {strides = array<i32>} : memref<40000xi32, #tpu.memory_space<vmem>>, vector<16xi32>,
      %swap3A_231 = vector.shape_cast %swap3A_230 : vector<16xi32> to vector<16xi32>
      %swap3A_232 = vector.shape_cast %add3A_226 : vector<16xi32> to vector<16xi32>
      tpu.vector_store %arg9[%swap3A_229], %swap3A_232 {strides = array<i32>} : memref<40000xi32, #tpu.memory_space<vmem>>, vector<16xi32>,
      %mul3A_233 = arith.constant 8 : i32
      %mul3A_234 = vector.broadcast %mul3A_233 : i32 to vector<16xi32>
      %mul3A_235 = arith.muli %get3A_217, %mul3A_234 : vector<16xi32>
      %add3A_236 = arith.addi %mul3A_235, %get3A_222 : vector<16xi32>
      %swap3A_237 = arith.index_cast %scan3A_134 : i32 to index
      %swap3A_238 = arith.constant 32 : index
      %swap3A_239 = tpu.vector_load %arg10[%swap3A_237, %swap3A_238] {strides = array<i32>} : memref<250x80xi32, #tpu.memory_space<vmem>>, vector<1x16xi32>,
      %swap3A_240 = vector.shape_cast %swap3A_239 : vector<1x16xi32> to vector<16xi32>
      %swap3A_241 = vector.shape_cast %add3A_236 : vector<16xi32> to vector<1x16xi32>
      tpu.vector_store %arg10[%swap3A_237, %swap3A_238], %swap3A_241 {strides = array<i32>} : memref<250x80xi32, #tpu.memory_space<vmem>>, vector<1x16xi32>,
      %mul3A_242 = arith.constant 80 : i32
      %mul3A_243 = arith.muli %scan3A_134, %mul3A_242 : i32
      %add3A_244 = arith.constant 48 : i32
      %add3A_245 = arith.addi %mul3A_243, %add3A_244 : i32
      %get3A_246 = arith.index_cast %add3A_245 : i32 to index
      %get3A_247 = tpu.vector_load %arg9[%get3A_246] {strides = array<i32>} : memref<40000xi32, #tpu.memory_space<vmem>>, vector<16xi32>,
      %get3A_248 = vector.shape_cast %get3A_247 : vector<16xi32> to vector<16xi32>
      %add3A_249 = arith.constant 10000 : i32
      %add3A_250 = arith.addi %add3A_249, %add3A_245 : i32
      %get3A_251 = arith.index_cast %add3A_250 : i32 to index
      %get3A_252 = tpu.vector_load %arg9[%get3A_251] {strides = array<i32>} : memref<40000xi32, #tpu.memory_space<vmem>>, vector<16xi32>,
      %get3A_253 = vector.shape_cast %get3A_252 : vector<16xi32> to vector<16xi32>
      %add3A_254 = arith.constant 20000 : i32
      %add3A_255 = arith.addi %add3A_254, %add3A_245 : i32
      %get3A_256 = arith.index_cast %add3A_255 : i32 to index
      %get3A_257 = tpu.vector_load %arg9[%get3A_256] {strides = array<i32>} : memref<40000xi32, #tpu.memory_space<vmem>>, vector<16xi32>,
      %get3A_258 = vector.shape_cast %get3A_257 : vector<16xi32> to vector<16xi32>
      %mul3A_259 = arith.constant 8 : i32
      %mul3A_260 = vector.broadcast %mul3A_259 : i32 to vector<16xi32>
      %mul3A_261 = arith.muli %get3A_248, %mul3A_260 : vector<16xi32>
      %add3A_262 = arith.addi %mul3A_261, %get3A_258 : vector<16xi32>
      %add3A_263 = arith.constant 30000 : i32
      %add3A_264 = arith.addi %add3A_263, %add3A_245 : i32
      %swap3A_265 = arith.index_cast %add3A_264 : i32 to index
      %swap3A_266 = tpu.vector_load %arg9[%swap3A_265] {strides = array<i32>} : memref<40000xi32, #tpu.memory_space<vmem>>, vector<16xi32>,
      %swap3A_267 = vector.shape_cast %swap3A_266 : vector<16xi32> to vector<16xi32>
      %swap3A_268 = vector.shape_cast %add3A_262 : vector<16xi32> to vector<16xi32>
      tpu.vector_store %arg9[%swap3A_265], %swap3A_268 {strides = array<i32>} : memref<40000xi32, #tpu.memory_space<vmem>>, vector<16xi32>,
      %mul3A_269 = arith.constant 8 : i32
      %mul3A_270 = vector.broadcast %mul3A_269 : i32 to vector<16xi32>
      %mul3A_271 = arith.muli %get3A_253, %mul3A_270 : vector<16xi32>
      %add3A_272 = arith.addi %mul3A_271, %get3A_258 : vector<16xi32>
      %swap3A_273 = arith.index_cast %scan3A_134 : i32 to index
      %swap3A_274 = arith.constant 48 : index
      %swap3A_275 = tpu.vector_load %arg10[%swap3A_273, %swap3A_274] {strides = array<i32>} : memref<250x80xi32, #tpu.memory_space<vmem>>, vector<1x16xi32>,
      %swap3A_276 = vector.shape_cast %swap3A_275 : vector<1x16xi32> to vector<16xi32>
      %swap3A_277 = vector.shape_cast %add3A_272 : vector<16xi32> to vector<1x16xi32>
      tpu.vector_store %arg10[%swap3A_273, %swap3A_274], %swap3A_277 {strides = array<i32>} : memref<250x80xi32, #tpu.memory_space<vmem>>, vector<1x16xi32>,
      %mul3A_278 = arith.constant 80 : i32
      %mul3A_279 = arith.muli %scan3A_134, %mul3A_278 : i32
      %add3A_280 = arith.constant 64 : i32
      %add3A_281 = arith.addi %mul3A_279, %add3A_280 : i32
      %get3A_282 = arith.index_cast %add3A_281 : i32 to index
      %get3A_283 = tpu.vector_load %arg9[%get3A_282] {strides = array<i32>} : memref<40000xi32, #tpu.memory_space<vmem>>, vector<16xi32>,
      %get3A_284 = vector.shape_cast %get3A_283 : vector<16xi32> to vector<16xi32>
      %add3A_285 = arith.constant 10000 : i32
      %add3A_286 = arith.addi %add3A_285, %add3A_281 : i32
      %get3A_287 = arith.index_cast %add3A_286 : i32 to index
      %get3A_288 = tpu.vector_load %arg9[%get3A_287] {strides = array<i32>} : memref<40000xi32, #tpu.memory_space<vmem>>, vector<16xi32>,
      %get3A_289 = vector.shape_cast %get3A_288 : vector<16xi32> to vector<16xi32>
      %add3A_290 = arith.constant 20000 : i32
      %add3A_291 = arith.addi %add3A_290, %add3A_281 : i32
      %get3A_292 = arith.index_cast %add3A_291 : i32 to index
      %get3A_293 = tpu.vector_load %arg9[%get3A_292] {strides = array<i32>} : memref<40000xi32, #tpu.memory_space<vmem>>, vector<16xi32>,
      %get3A_294 = vector.shape_cast %get3A_293 : vector<16xi32> to vector<16xi32>
      %mul3A_295 = arith.constant 8 : i32
      %mul3A_296 = vector.broadcast %mul3A_295 : i32 to vector<16xi32>
      %mul3A_297 = arith.muli %get3A_284, %mul3A_296 : vector<16xi32>
      %add3A_298 = arith.addi %mul3A_297, %get3A_294 : vector<16xi32>
      %add3A_299 = arith.constant 30000 : i32
      %add3A_300 = arith.addi %add3A_299, %add3A_281 : i32
      %swap3A_301 = arith.index_cast %add3A_300 : i32 to index
      %swap3A_302 = tpu.vector_load %arg9[%swap3A_301] {strides = array<i32>} : memref<40000xi32, #tpu.memory_space<vmem>>, vector<16xi32>,
      %swap3A_303 = vector.shape_cast %swap3A_302 : vector<16xi32> to vector<16xi32>
      %swap3A_304 = vector.shape_cast %add3A_298 : vector<16xi32> to vector<16xi32>
      tpu.vector_store %arg9[%swap3A_301], %swap3A_304 {strides = array<i32>} : memref<40000xi32, #tpu.memory_space<vmem>>, vector<16xi32>,
      %mul3A_305 = arith.constant 8 : i32
      %mul3A_306 = vector.broadcast %mul3A_305 : i32 to vector<16xi32>
      %mul3A_307 = arith.muli %get3A_289, %mul3A_306 : vector<16xi32>
      %add3A_308 = arith.addi %mul3A_307, %get3A_294 : vector<16xi32>
      %swap3A_309 = arith.index_cast %scan3A_134 : i32 to index
      %swap3A_310 = arith.constant 64 : index
      %swap3A_311 = tpu.vector_load %arg10[%swap3A_309, %swap3A_310] {strides = array<i32>} : memref<250x80xi32, #tpu.memory_space<vmem>>, vector<1x16xi32>,
      %swap3A_312 = vector.shape_cast %swap3A_311 : vector<1x16xi32> to vector<16xi32>
      %swap3A_313 = vector.shape_cast %add3A_308 : vector<16xi32> to vector<1x16xi32>
      tpu.vector_store %arg10[%swap3A_309, %swap3A_310], %swap3A_313 {strides = array<i32>} : memref<250x80xi32, #tpu.memory_space<vmem>>, vector<1x16xi32>,
      %mul3A_314 = arith.constant 80 : i32
      %mul3A_315 = arith.muli %scan3A_134, %mul3A_314 : i32
      %dma_start3A = tpu.memref_slice %arg11[%mul3A_315] : memref<10000xf32, #tpu.memory_space<vmem>> -> memref<80xf32, #tpu.memory_space<vmem>>
      %dma_start3A_316 = arith.constant 0 : i32
      %dma_start3A_317 = tpu.memref_slice %arg10[%scan3A_134, %dma_start3A_316] : memref<250x80xi32, #tpu.memory_space<vmem>> -> memref<1x80xi32, #tpu.memory_space<vmem>>
      %dma_start3A_318 = tpu.memref_squeeze %dma_start3A_317 : memref<1x80xi32, #tpu.memory_space<vmem>> -> memref<80xi32, #tpu.memory_space<vmem>>
      %dma_start3A_319 = arith.constant 0 : i32
      %dma_start3A_320 = tpu.memref_slice %arg16[%dma_start3A_319] : memref<80000xf32, #tpu.memory_space<vmem_shared>> -> memref<80000xf32, #tpu.memory_space<vmem_shared>>
      tpu.enqueue_indirect_dma source(%dma_start3A_320 : memref<80000xf32, #tpu.memory_space<vmem_shared>>) target(%dma_start3A : memref<80xf32, #tpu.memory_space<vmem>>) offsets(%dma_start3A_318 : memref<80xi32, #tpu.memory_space<vmem>>) semaphore(%arg17 : memref<!tpu.dma_semaphore, #tpu.memory_space<semaphore_mem>>)
    }
    %scan3A_111 = arith.constant 125 : i32
    %dma_wait3A_112 = tpu.memref_slice %arg2[%mul3A_105] : memref<320000xi32, #tpu.memory_space<hbm>> -> memref<10000xi32, #tpu.memory_space<hbm>>
    %dma_wait3A_113 = tpu.memref_slice %arg2[%mul3A_105] : memref<320000xi32, #tpu.memory_space<hbm>> -> memref<10000xi32, #tpu.memory_space<hbm>>
    tpu.wait_dma2 semaphore(%arg17 : memref<!tpu.dma_semaphore, #tpu.memory_space<semaphore_mem>>) src(%dma_wait3A_113 : memref<10000xi32, #tpu.memory_space<hbm>>) dst(%arg11 : memref<10000xf32, #tpu.memory_space<vmem>>)
    %scan3A_114 = arith.constant 0 : i32
    %scan3A_115 = arith.constant 0 : i32
    %scan3A_116 = arith.constant 625 : i32
    %scan3A_117 = arith.addi %scan3A_115, %scan3A_116 : i32
    %scan3A_118 = arith.constant 1 : i32
    scf.for %scan3A_134 = %scan3A_115 to %scan3A_117 step %scan3A_118  : i32 {
      %mul3A_135 = arith.constant 16 : i32
      %mul3A_136 = arith.muli %scan3A_134, %mul3A_135 : i32
      %get3A = arith.index_cast %mul3A_136 : i32 to index
      %get3A_137 = tpu.vector_load %arg11[%get3A] {strides = array<i32>} : memref<10000xf32, #tpu.memory_space<vmem>>, vector<16xf32>,
      %get3A_138 = vector.shape_cast %get3A_137 : vector<16xf32> to vector<16xf32>
      %max3A = arith.constant 1.000000e+00 : f32
      %max3A_139 = vector.broadcast %max3A : f32 to vector<16xf32>
      %max3A_140 = arith.maximumf %get3A_138, %max3A_139 : vector<16xf32>
      %div3A = arith.constant 1.000000e+00 : f32
      %div3A_141 = vector.broadcast %div3A : f32 to vector<16xf32>
      %div3A_142 = arith.divf %div3A_141, %max3A_140 : vector<16xf32>
      %swap3A_143 = arith.index_cast %mul3A_136 : i32 to index
      %swap3A_144 = tpu.vector_load %arg12[%swap3A_143] {strides = array<i32>} : memref<10000xf32, #tpu.memory_space<vmem>>, vector<16xf32>,
      %swap3A_145 = vector.shape_cast %swap3A_144 : vector<16xf32> to vector<16xf32>
      %swap3A_146 = vector.shape_cast %div3A_142 : vector<16xf32> to vector<16xf32>
      tpu.vector_store %arg12[%swap3A_143], %swap3A_146 {strides = array<i32>} : memref<10000xf32, #tpu.memory_space<vmem>>, vector<16xf32>,
    }
    %scan3A_119 = arith.constant 625 : i32
    %mul3A_120 = arith.constant 10080 : i32
    %mul3A_121 = arith.muli %add3A, %mul3A_120 : i32
    "tpu.region"() ({
      %run_scoped3A = tpu.sem_alloc : memref<!tpu.dma_semaphore, #tpu.memory_space<semaphore_mem>>
      %dma_start3A = arith.constant 30000 : i32
      %dma_start3A_134 = tpu.memref_slice %arg9[%dma_start3A] : memref<40000xi32, #tpu.memory_space<vmem>> -> memref<10000xi32, #tpu.memory_space<vmem>>
      %dma_start3A_135 = tpu.memref_slice %arg6[%mul3A_121] : memref<322560xi32, #tpu.memory_space<hbm>> -> memref<10000xi32, #tpu.memory_space<hbm>>
      %dma_start3A_136 = tpu.memref_slice %arg6[%mul3A_121] : memref<322560xi32, #tpu.memory_space<hbm>> -> memref<10000xi32, #tpu.memory_space<hbm>>
      %dma_start3A_137 = arith.constant 30000 : i32
      %dma_start3A_138 = tpu.memref_slice %arg9[%dma_start3A_137] : memref<40000xi32, #tpu.memory_space<vmem>> -> memref<10000xi32, #tpu.memory_space<vmem>>
      tpu.enqueue_dma source(%dma_start3A_138 : memref<10000xi32, #tpu.memory_space<vmem>>) target(%dma_start3A_136 : memref<10000xi32, #tpu.memory_space<hbm>>) target_semaphore(%run_scoped3A : memref<!tpu.dma_semaphore, #tpu.memory_space<semaphore_mem>>)
      %dma_wait3A_139 = arith.constant 30000 : i32
      %dma_wait3A_140 = tpu.memref_slice %arg9[%dma_wait3A_139] : memref<40000xi32, #tpu.memory_space<vmem>> -> memref<10000xi32, #tpu.memory_space<vmem>>
      %dma_wait3A_141 = tpu.memref_slice %arg6[%mul3A_121] : memref<322560xi32, #tpu.memory_space<hbm>> -> memref<10000xi32, #tpu.memory_space<hbm>>
      %dma_wait3A_142 = tpu.memref_slice %arg6[%mul3A_121] : memref<322560xi32, #tpu.memory_space<hbm>> -> memref<10000xi32, #tpu.memory_space<hbm>>
      %dma_wait3A_143 = arith.constant 30000 : i32
      %dma_wait3A_144 = tpu.memref_slice %arg9[%dma_wait3A_143] : memref<40000xi32, #tpu.memory_space<vmem>> -> memref<10000xi32, #tpu.memory_space<vmem>>
      tpu.wait_dma2 semaphore(%run_scoped3A : memref<!tpu.dma_semaphore, #tpu.memory_space<semaphore_mem>>) src(%dma_wait3A_144 : memref<10000xi32, #tpu.memory_space<vmem>>) dst(%dma_wait3A_142 : memref<10000xi32, #tpu.memory_space<hbm>>)
      tpu.yield
    }) : () -> ()
    "tpu.region"() ({
      %run_scoped3A = tpu.sem_alloc : memref<!tpu.dma_semaphore, #tpu.memory_space<semaphore_mem>>
      %dma_start3A = arith.constant 10000 : i32
      %dma_start3A_134 = tpu.memref_slice %arg9[%dma_start3A] : memref<40000xi32, #tpu.memory_space<vmem>> -> memref<10000xi32, #tpu.memory_space<vmem>>
      %dma_start3A_135 = tpu.memref_slice %arg7[%mul3A_121] : memref<322560xi32, #tpu.memory_space<hbm>> -> memref<10000xi32, #tpu.memory_space<hbm>>
      %dma_start3A_136 = tpu.memref_slice %arg7[%mul3A_121] : memref<322560xi32, #tpu.memory_space<hbm>> -> memref<10000xi32, #tpu.memory_space<hbm>>
      %dma_start3A_137 = arith.constant 10000 : i32
      %dma_start3A_138 = tpu.memref_slice %arg9[%dma_start3A_137] : memref<40000xi32, #tpu.memory_space<vmem>> -> memref<10000xi32, #tpu.memory_space<vmem>>
      tpu.enqueue_dma source(%dma_start3A_138 : memref<10000xi32, #tpu.memory_space<vmem>>) target(%dma_start3A_136 : memref<10000xi32, #tpu.memory_space<hbm>>) target_semaphore(%run_scoped3A : memref<!tpu.dma_semaphore, #tpu.memory_space<semaphore_mem>>)
      %dma_wait3A_139 = arith.constant 10000 : i32
      %dma_wait3A_140 = tpu.memref_slice %arg9[%dma_wait3A_139] : memref<40000xi32, #tpu.memory_space<vmem>> -> memref<10000xi32, #tpu.memory_space<vmem>>
      %dma_wait3A_141 = tpu.memref_slice %arg7[%mul3A_121] : memref<322560xi32, #tpu.memory_space<hbm>> -> memref<10000xi32, #tpu.memory_space<hbm>>
      %dma_wait3A_142 = tpu.memref_slice %arg7[%mul3A_121] : memref<322560xi32, #tpu.memory_space<hbm>> -> memref<10000xi32, #tpu.memory_space<hbm>>
      %dma_wait3A_143 = arith.constant 10000 : i32
      %dma_wait3A_144 = tpu.memref_slice %arg9[%dma_wait3A_143] : memref<40000xi32, #tpu.memory_space<vmem>> -> memref<10000xi32, #tpu.memory_space<vmem>>
      tpu.wait_dma2 semaphore(%run_scoped3A : memref<!tpu.dma_semaphore, #tpu.memory_space<semaphore_mem>>) src(%dma_wait3A_144 : memref<10000xi32, #tpu.memory_space<vmem>>) dst(%dma_wait3A_142 : memref<10000xi32, #tpu.memory_space<hbm>>)
      tpu.yield
    }) : () -> ()
    "tpu.region"() ({
      %run_scoped3A = tpu.sem_alloc : memref<!tpu.dma_semaphore, #tpu.memory_space<semaphore_mem>>
      %dma_start3A = tpu.memref_slice %arg8[%mul3A_121] : memref<322560xf32, #tpu.memory_space<hbm>> -> memref<10000xf32, #tpu.memory_space<hbm>>
      %dma_start3A_134 = tpu.memref_slice %arg8[%mul3A_121] : memref<322560xf32, #tpu.memory_space<hbm>> -> memref<10000xf32, #tpu.memory_space<hbm>>
      tpu.enqueue_dma source(%arg12 : memref<10000xf32, #tpu.memory_space<vmem>>) target(%dma_start3A_134 : memref<10000xf32, #tpu.memory_space<hbm>>) target_semaphore(%run_scoped3A : memref<!tpu.dma_semaphore, #tpu.memory_space<semaphore_mem>>)
      %dma_wait3A_135 = tpu.memref_slice %arg8[%mul3A_121] : memref<322560xf32, #tpu.memory_space<hbm>> -> memref<10000xf32, #tpu.memory_space<hbm>>
      %dma_wait3A_136 = tpu.memref_slice %arg8[%mul3A_121] : memref<322560xf32, #tpu.memory_space<hbm>> -> memref<10000xf32, #tpu.memory_space<hbm>>
      tpu.wait_dma2 semaphore(%run_scoped3A : memref<!tpu.dma_semaphore, #tpu.memory_space<semaphore_mem>>) src(%arg12 : memref<10000xf32, #tpu.memory_space<vmem>>) dst(%dma_wait3A_136 : memref<10000xf32, #tpu.memory_space<hbm>>)
      tpu.yield
    }) : () -> ()
    %add3A_122 = arith.constant 10000 : i32
    %add3A_123 = arith.addi %mul3A_121, %add3A_122 : i32
    %add3A_124 = arith.constant 0 : i32
    %add3A_125 = arith.addi %add3A_123, %add3A_124 : i32
    "tpu.region"() ({
      %run_scoped3A = tpu.sem_alloc : memref<!tpu.dma_semaphore, #tpu.memory_space<semaphore_mem>>
      %dma_start3A = tpu.memref_slice %arg6[%add3A_125] : memref<322560xi32, #tpu.memory_space<hbm>> -> memref<80xi32, #tpu.memory_space<hbm>>
      %dma_start3A_134 = tpu.memref_slice %arg6[%add3A_125] : memref<322560xi32, #tpu.memory_space<hbm>> -> memref<80xi32, #tpu.memory_space<hbm>>
      tpu.enqueue_dma source(%arg14 : memref<80xi32, #tpu.memory_space<vmem>>) target(%dma_start3A_134 : memref<80xi32, #tpu.memory_space<hbm>>) target_semaphore(%run_scoped3A : memref<!tpu.dma_semaphore, #tpu.memory_space<semaphore_mem>>)
      %dma_wait3A_135 = tpu.memref_slice %arg6[%add3A_125] : memref<322560xi32, #tpu.memory_space<hbm>> -> memref<80xi32, #tpu.memory_space<hbm>>
      %dma_wait3A_136 = tpu.memref_slice %arg6[%add3A_125] : memref<322560xi32, #tpu.memory_space<hbm>> -> memref<80xi32, #tpu.memory_space<hbm>>
      tpu.wait_dma2 semaphore(%run_scoped3A : memref<!tpu.dma_semaphore, #tpu.memory_space<semaphore_mem>>) src(%arg14 : memref<80xi32, #tpu.memory_space<vmem>>) dst(%dma_wait3A_136 : memref<80xi32, #tpu.memory_space<hbm>>)
      tpu.yield
    }) : () -> ()
    %add3A_126 = arith.constant 10000 : i32
    %add3A_127 = arith.addi %mul3A_121, %add3A_126 : i32
    %add3A_128 = arith.constant 0 : i32
    %add3A_129 = arith.addi %add3A_127, %add3A_128 : i32
    "tpu.region"() ({
      %run_scoped3A = tpu.sem_alloc : memref<!tpu.dma_semaphore, #tpu.memory_space<semaphore_mem>>
      %dma_start3A = tpu.memref_slice %arg7[%add3A_129] : memref<322560xi32, #tpu.memory_space<hbm>> -> memref<80xi32, #tpu.memory_space<hbm>>
      %dma_start3A_134 = tpu.memref_slice %arg7[%add3A_129] : memref<322560xi32, #tpu.memory_space<hbm>> -> memref<80xi32, #tpu.memory_space<hbm>>
      tpu.enqueue_dma source(%arg14 : memref<80xi32, #tpu.memory_space<vmem>>) target(%dma_start3A_134 : memref<80xi32, #tpu.memory_space<hbm>>) target_semaphore(%run_scoped3A : memref<!tpu.dma_semaphore, #tpu.memory_space<semaphore_mem>>)
      %dma_wait3A_135 = tpu.memref_slice %arg7[%add3A_129] : memref<322560xi32, #tpu.memory_space<hbm>> -> memref<80xi32, #tpu.memory_space<hbm>>
      %dma_wait3A_136 = tpu.memref_slice %arg7[%add3A_129] : memref<322560xi32, #tpu.memory_space<hbm>> -> memref<80xi32, #tpu.memory_space<hbm>>
      tpu.wait_dma2 semaphore(%run_scoped3A : memref<!tpu.dma_semaphore, #tpu.memory_space<semaphore_mem>>) src(%arg14 : memref<80xi32, #tpu.memory_space<vmem>>) dst(%dma_wait3A_136 : memref<80xi32, #tpu.memory_space<hbm>>)
      tpu.yield
    }) : () -> ()
    %add3A_130 = arith.constant 10000 : i32
    %add3A_131 = arith.addi %mul3A_121, %add3A_130 : i32
    %add3A_132 = arith.constant 0 : i32
    %add3A_133 = arith.addi %add3A_131, %add3A_132 : i32
    "tpu.region"() ({
      %run_scoped3A = tpu.sem_alloc : memref<!tpu.dma_semaphore, #tpu.memory_space<semaphore_mem>>
      %dma_start3A = tpu.memref_slice %arg8[%add3A_133] : memref<322560xf32, #tpu.memory_space<hbm>> -> memref<80xf32, #tpu.memory_space<hbm>>
      %dma_start3A_134 = tpu.memref_slice %arg8[%add3A_133] : memref<322560xf32, #tpu.memory_space<hbm>> -> memref<80xf32, #tpu.memory_space<hbm>>
      tpu.enqueue_dma source(%arg15 : memref<80xf32, #tpu.memory_space<vmem>>) target(%dma_start3A_134 : memref<80xf32, #tpu.memory_space<hbm>>) target_semaphore(%run_scoped3A : memref<!tpu.dma_semaphore, #tpu.memory_space<semaphore_mem>>)
      %dma_wait3A_135 = tpu.memref_slice %arg8[%add3A_133] : memref<322560xf32, #tpu.memory_space<hbm>> -> memref<80xf32, #tpu.memory_space<hbm>>
      %dma_wait3A_136 = tpu.memref_slice %arg8[%add3A_133] : memref<322560xf32, #tpu.memory_space<hbm>> -> memref<80xf32, #tpu.memory_space<hbm>>
      tpu.wait_dma2 semaphore(%run_scoped3A : memref<!tpu.dma_semaphore, #tpu.memory_space<semaphore_mem>>) src(%arg15 : memref<80xf32, #tpu.memory_space<vmem>>) dst(%dma_wait3A_136 : memref<80xf32, #tpu.memory_space<hbm>>)
      tpu.yield
    }) : () -> ()
    return
  }
}

</mosaic_0001>

<sc_bundles>
// kernel: _sc_prep.3.cloned.1.call-start
scs
__scs_entry_jumppad:
0x0: {  	(pc) =	sbr.rel $0x88, $3  }
0x1: {  	(tag) =	ssettag $0x0;
	lr =	simm.s32 $0x1  }
0x2: {  	[smem:$0x3F9D] =	sst lr;
	_ =	strace $0xD0000000  }
0x3: {  	_ = 	snop  }
0x4: {  	_ = 	snop  }
0x5: {  	_ = 	snop  }
0x6: {  	_ = 	snop  }
0x7: {  	_ = 	snop  }
__scs_overlays_trampoline_lowered:
0x8: {  	[smem:$0x3FAC] =	sst s0  }
0x9: {  	[smem:$0x3FAD] =	sst s1  }
0xa: {  	[smem:$0x3FAE] =	sst s2  }
0xb: {  	[smem:$0x3FAF] =	sst s3  }
0xc: {  	[smem:$0x3FB0] =	sst s4  }
0xd: {  	[smem:$0x3FB1] =	sst s5  }
0xe: {  	[smem:$0x3FB2] =	sst s6  }
0xf: {  	[smem:$0x3FB3] =	sst s7  }
0x10: {  	[smem:$0x3FB4] =	sst s8  }
0x11: {  	[smem:$0x3FB5] =	sst s9;
	s0 =	simm.s32 @!p0 $0x0  }
0x12: {  	s1 =	sld [smem:$0x3F9B];
	s0 =	simm.s32 @p0 $0x1  }
0x13: {  	[smem:$0x3FB6] =	sst s0;
	s0 =	simm.s32 @!p1 $0x0  }
0x14: {  	s2 =	sld [smem:$0x3F9A];
	s0 =	simm.s32 @p1 $0x1  }
0x15: {  	[smem:$0x3FB7] =	sst s0;
	s0 =	simm.s32 @!p2 $0x0  }
0x16: {  	s3 =	sld [smem:$0x3FDB];
	s0 =	simm.s32 @p2 $0x1  }
0x17: {  	s4 =	simm.s32 $0x1BF5;
	[smem:$0x3FB9] =	sst s0  }
0x18: {  	s0 =	sld [smem:$0x3F9C];
	_ =	swait.ge [sflag:s4], $0x0  }
0x19: {  	s7 =	sld [smem:$0x3F9D]  }
0x1a: {  	s8 =	sadd.s32 $0xFFFFE003, lr  }
0x1b: {  	s9 =	sadd.s32 $0xFFFFFEF7, lr;
	s5 =	simm.s32 $0xFFFFFFFF;
	p2 =	slt.u32 s8, $0xFFFFF086  }
0x1c: {  	p1 =	slt.u32 s9, $0xF7A;
	s5 =	simm.s32 @!p2 $0x0  }
0x1d: {  	s5 =	simm.s32 @p1 $0x1;
	p0 =	seq.s32 s7, s2  }
0x1e: {  	s7 =	smul.u32 @!p0 $0xF7A, s2;
	p2 =	seq.s32 @!p0 s5, $0x0  }
0x1f: {  	s9 =	smul.u32 $0xF7A, s1;
	s8 =	simm.s32 @!p0 $0x1BF5;
	p2 =	por !p2, p0  }
0x20: {  	[sflag:s8] =	ssyncset.s32 @!p0 $0xFFFFF086;
	s6 =	sadd.s32 @!p0 s3, s7;
	s7 =	simm.s32 @!p0 $0x108  }
0x21: {  	s3 =	sadd.s32 s3, s9;
	s6 =	sadd.s32 @!p0 $0x88, s6;
	s7 =	simm.s32 @p2 $0x1082  }
0x22: {  	[simem:s7], [sflag:s8] =	dma.local @!p0 [hbm:s6], $0xF7A  }
0x23: {  	s9 =	sor.u32 $0xD0000000, s2;
	s6 =	simm.s32 $0x108;
	_ =	swait.ge @!p0 [sflag:s8], $0x0  }
0x24: {  	s3 =	sadd.s32 $0x88, s3;
	s6 =	simm.s32 @!p1 $0x1082;
	[sflag:s4] =	ssyncset.s32 $0xFFFFF086  }
0x25: {  	[simem:s6], [sflag:s4] =	dma.local [hbm:s3], $0xF7A  }
0x26: {  	[smem:$0x3F9D] =	sst s1;
	(tag) =	ssettag s2;
	_ =	strace s9  }
0x27: {  	s1 =	sld [smem:$0x3FAD]  }
0x28: {  	s2 =	sld [smem:$0x3FAE]  }
0x29: {  	s4 =	sld [smem:$0x3FB0]  }
0x2a: {  	p0 =	seq.s32 s5, $0x0;
	s5 =	sld [smem:$0x3FB1]  }
0x2b: {  	s6 =	sld [smem:$0x3FB2]  }
0x2c: {  	s7 =	sld [smem:$0x3FB3]  }
0x2d: {  	s3 =	simm.s32 $0x108;
	s8 =	sld [smem:$0x3FB4]  }
0x2e: {  	s3 =	simm.s32 @!p0 $0x1082;
	s9 =	sld [smem:$0x3FB5]  }
0x2f: {  	lr =	sadd.s32 s0, s3;
	s0 =	sld [smem:$0x3FAC]  }
0x30: {  	s3 =	sld [smem:$0x3FAF]  }
0x31: {  	[smem:$0x3FB8] =	sst s10  }
0x32: {  	s10 =	sld [smem:$0x3FB6];
	_ =	sdelay $0x3  }
0x33: {  	p0 =	seq.s32 s10, $0x1;
	s10 =	sld [smem:$0x3FB8];
	_ =	sdelay $0x3  }
0x34: {  	[smem:$0x3FB8] =	sst s10  }
0x35: {  	s10 =	sld [smem:$0x3FB7];
	_ =	sdelay $0x3  }
0x36: {  	p1 =	seq.s32 s10, $0x1;
	s10 =	sld [smem:$0x3FB8];
	_ =	sdelay $0x3  }
0x37: {  	[smem:$0x3FB8] =	sst s10  }
0x38: {  	s10 =	sld [smem:$0x3FB9]  }
0x39: {  	_ = 	snop;
	(pc) =	sbr.ind lr, $3  }
0x3a: {  	_ = 	snop  }
0x3b: {  	_ = 	snop  }
0x3c: {  	p2 =	seq.s32 s10, $0x1;
	s10 =	sld [smem:$0x3FB8]  }
0x3d: {  	_ =	shalt  }
0x3e: {  	_ =	shalt  }
0x3f: {  	_ =	shalt  }
0x40: {  	_ =	shalt  }
0x41: {  	_ =	shalt  }
0x42: {  	_ =	shalt  }
0x43: {  	_ =	shalt  }
0x44: {  	_ =	shalt  }
0x45: {  	_ =	shalt  }
0x46: {  	_ =	shalt  }
0x47: {  	_ =	shalt  }
0x48: {  	_ =	shalt  }
0x49: {  	_ =	shalt  }
0x4a: {  	_ =	shalt  }
0x4b: {  	_ =	shalt  }
0x4c: {  	_ =	shalt  }
0x4d: {  	_ =	shalt  }
0x4e: {  	_ =	shalt  }
0x4f: {  	_ =	shalt  }
0x50: {  	_ =	shalt  }
0x51: {  	_ =	shalt  }
0x52: {  	_ =	shalt  }
0x53: {  	_ =	shalt  }
0x54: {  	_ =	shalt  }
0x55: {  	_ =	shalt  }
0x56: {  	_ =	shalt  }
0x57: {  	_ =	shalt  }
0x58: {  	_ =	shalt  }
0x59: {  	_ =	shalt  }
0x5a: {  	_ =	shalt  }
0x5b: {  	_ =	shalt  }
0x5c: {  	_ =	shalt  }
0x5d: {  	_ =	shalt  }
0x5e: {  	_ =	shalt  }
0x5f: {  	_ =	shalt  }
0x60: {  	_ =	shalt  }
0x61: {  	_ =	shalt  }
0x62: {  	_ =	shalt  }
0x63: {  	_ =	shalt  }
0x64: {  	_ =	shalt  }
0x65: {  	_ =	shalt  }
0x66: {  	_ =	shalt  }
0x67: {  	_ =	shalt  }
0x68: {  	_ =	shalt  }
0x69: {  	_ =	shalt  }
0x6a: {  	_ =	shalt  }
0x6b: {  	_ =	shalt  }
0x6c: {  	_ =	shalt  }
0x6d: {  	_ =	shalt  }
0x6e: {  	_ =	shalt  }
0x6f: {  	_ =	shalt  }
0x70: {  	_ =	shalt  }
0x71: {  	_ =	shalt  }
0x72: {  	_ =	shalt  }
0x73: {  	_ =	shalt  }
0x74: {  	_ =	shalt  }
0x75: {  	_ =	shalt  }
0x76: {  	_ =	shalt  }
0x77: {  	_ =	shalt  }
0x78: {  	_ =	shalt  }
0x79: {  	_ =	shalt  }
0x7a: {  	_ =	shalt  }
0x7b: {  	_ =	shalt  }
0x7c: {  	_ =	shalt  }
0x7d: {  	_ =	shalt  }
0x7e: {  	_ =	shalt  }
0x7f: {  	_ =	shalt  }
0x80: {  	_ =	shalt  }
0x81: {  	_ =	shalt  }
0x82: {  	_ =	shalt  }
0x83: {  	_ =	shalt  }
0x84: {  	_ =	shalt  }
0x85: {  	_ =	shalt  }
0x86: {  	_ =	shalt  }
0x87: {  	_ =	shalt  }
.Lfunc_end0:
.L_simem_size_0:
called_computation_lowered:
.L_overlay_start_0:
0x88: {  	s2 =	sld [smem:$0x3FD9]  }
0x89: {  	s3 =	sld [smem:$0x3FFE];
	_ =	sdelay $0x1  }
0x8a: {  	s1 =	srdreg.scid  }
0x8b: {  	s0 =	sand.u32 $0x1, s1  }
0x8c: {  	s15 =	sshll.u32 s0, $0xA;
	s2 =	sadd.s32 s3, s2  }
0x8d: {  	s2 =	sadd.s32 s2, s15  }
0x8e: {  	[smem:$0x3FC4] =	sst s2  }
0x8f: {  	_ = 	snop  }
0x90: {  	s2 =	sld [smem:$0x3FC9]  }
0x91: {  	s16 =	sld [smem:$0x3FD0]  }
0x92: {  	s4 =	sld [smem:$0x3FC8]  }
0x93: {  	s5 =	sld [smem:$0x3FC7]  }
0x94: {  	s7 =	simm.s32 $0xA;
	s8 =	simm.s32 $0x10;
	s6 =	sld [smem:$0x3FC6]  }
0x95: {  	[smem:s8], [sflag:s7] =	dma.local [hbm:s16], $0x1  }
0x96: {  	_ =	swait.eq [sflag:s7], $0x1  }
0x97: {  	s17 =	sld [smem:$0x10];
	[sflag:s7] =	ssyncset.done $0x0  }
0x98: {  	s18 =	sld [smem:$0x11];
	[sflag:s7] =	ssyncadd.s32 $0xFFFFFFFF  }
0x99: {  	s19 =	sld [smem:$0x12];
	(tm) =	ssettm $0x1  }
0x9a: {  	s9 =	sld [smem:$0x3FFB];
	_ =	sdelay $0x3  }
0x9b: {  	_ =	strace s9  }
0x9c: {  	s9 =	sld [smem:$0x3FFC];
	_ =	sdelay $0x3  }
0x9d: {  	_ =	strace s9  }
0x9e: {  	s9 =	sld [smem:$0x3FFD];
	_ =	sdelay $0x3  }
0x9f: {  	_ =	strace s9  }
0xa0: {  	_ =	strace $0x8FFFFFFF  }
0xa1: {  	s20 =	sld [smem:$0x3FDB];
	_ =	sdelay $0x1  }
0xa2: {  	s10 =	simm.s32 $_scs_section_size  }
0xa3: {  	s11 =	simm.s32 $_size__tile_overlayer_lowered;
	s12 =	simm.s32 $_tile_overlayer_lowered  }
0xa4: {  	s23 =	simm.s32 $0x1BFF;
	s22 =	sshll.u32 s12, $0x1;
	s9 =	sadd.s32 s10, s20  }
0xa5: {  	s13 =	simm.s32 $0x0;
	s21 =	sshll.u32 s11, $0x1;
	s11 =	sadd.s32 s22, s9  }
0xa6: {  	[timem:s13], [sflag:s23] =	dma.local [hbm:s11], s21  }
0xa7: {  	_ =	swait.ge [sflag:s23], s21  }
0xa8: {  	s10 =	ssub.s32 $0x0, s21;
	[sflag:s23] =	ssyncset.done $0x0  }
0xa9: {  	[sflag:s23] =	ssyncadd.s32 s10;
	_ =	sdelay $0x1  }
0xaa: {  	s24 =	simm.s32 $0x1B8B  }
0xab: {  	_ =	swait.ge [sflag:s24], $0x1  }
0xac: {  	[sflag:s24] =	ssyncset.done $0x0  }
0xad: {  	s25 =	simm.s32 $0x1B8E;
	[sflag:s24] =	ssyncadd.s32 $0xFFFFFFFF  }
0xae: {  	s26 =	simm.s32 $execute0_lowered;
	[smem:$0x3FD2] =	sst s25  }
0xaf: {  	s10 =	sshll.u32 s26, $0x1;
	_ =	strace $0x80000046;
	[dreg:$0x1] =	wrdreg $0xFFFFFFFF  }
0xb0: {  	s28 =	simm.s32 $_size_execute0_lowered;
	s9 =	sadd.s32 s9, s10;
	[dreg:$0x0] =	wrdreg $0x0  }
0xb1: {  	s10 =	sshll.u32 s28, $0x1;
	[dreg:$0x2] =	wrdreg s9  }
0xb2: {  	[dreg:$0x3] =	wrdreg s10  }
0xb3: {  	[dreg:$0x4] =	wrdreg $0xC0  }
0xb4: {  	_ =	task [dreg:s13], $0x5FFFF  }
0xb5: {  	[dreg:$0x1] =	wrdreg $0xFFFFFFFF  }
0xb6: {  	[dreg:$0x0] =	wrdreg $0x60  }
0xb7: {  	[dreg:$0x2] =	wrdreg s2  }
0xb8: {  	[dreg:$0x3] =	wrdreg s4  }
0xb9: {  	[dreg:$0x4] =	wrdreg s5  }
0xba: {  	[dreg:$0x5] =	wrdreg s6  }
0xbb: {  	[dreg:$0x6] =	wrdreg s17  }
0xbc: {  	[dreg:$0x7] =	wrdreg s18  }
0xbd: {  	[dreg:$0x8] =	wrdreg s19  }
0xbe: {  	[dreg:$0x9] =	wrdreg $0x16D000  }
0xbf: {  	[dreg:$0xa] =	wrdreg $0x9  }
0xc0: {  	_ =	task.clear_ibuf [dreg:s13], $0xBFFFF;
	_ =	strace $0x90000046  }
0xc1: {  	s29 =	simm.s32 $0x9;
	_ =	strace $0x80000048  }
0xc2: {  	_ =	swait.ge [sflag:s29], $0x1  }
0xc3: {  	[sflag:s29] =	ssyncadd.s32 $0xFFFFFFFF  }
0xc4: {  	_ =	strace $0x90000048  }
0xc5: {  	_ =	sfence  }
0xc6: {  	s30 =	sld [smem:$0x0];
	_ =	sdelay $0x2  }
0xc7: {  	s31 =	sshll.u32 s1, $0xD;
	s1 =	sshrl.u32 s1, $0x2  }
0xc8: {  	s3 =	sand.u32 $0x4000, s31;
	s1 =	sadd.s32 s1, s30  }
0xc9: {  	s0 =	sor.u32 s3, s0;
	s1 =	sshll.u32 s1, $0x11  }
0xca: {  	s0 =	sor.u32 s1, s0  }
0xcb: {  	s0 =	sadd.s32 $0x8F2B, s0  }
0xcc: {  	[sflag:s0] =	ssyncadd.remote.s32 $0x1  }
0xcd: {  	_ =	sfence.sel $0xFFFF  }
0xce: {  	[dreg:$0x0] =	wrdreg $0xFFFFFFFF;
	(pc) =	sbr.abs _section_cstart, $3  }
0xcf: {  	[dreg:$0x1] =	wrdreg $0xFFFFFFFF  }
0xd0: {  	_ =	task.clear_ibuf [dreg:s13], $0x2FFFF;
	_ =	strace $0x9FFFFFFF  }
0xd1: {  	(tm) =	ssettm $0x7FFFFFFF  }
tec
execute0_lowered:
.L_overlay_start_1:
0x0: {  	(tag) =	ssettag $0x1  }
0x1: {  	s0 =	rddreg [dreg:$0x0]  }
0x2: {  	s1 =	rddreg [dreg:$0x1]  }
0x3: {  	s3 =	rddreg [dreg:$0x2]  }
0x4: {  	s14 =	rddreg [dreg:$0x4]  }
0x5: {  	s15 =	rddreg [dreg:$0x5]  }
0x6: {  	s16 =	rddreg [dreg:$0x6]  }
0x7: {  	s2 =	rddreg [dreg:$0x7];
	s4 =	simm.s32 $0x0;
	s5 =	srdreg.scid  }
0x8: {  	s9 =	stileid.u32;
	s18 =	simm.s32 $0x11C80;
	s19 =	simm.s32 $0x2  }
0x9: {  	s20 =	simm.s32 $0x4E20;
	s21 =	simm.s32 $0x50;
	s22 =	simm.s32 $0x16B80  }
0xa: {  	s23 =	simm.s32 $0x1;
	s28 =	simm.s32 $0x16C00;
	s29 =	simm.s32 $0x16C80  }
0xb: {  	s30 =	simm.s32 $0x0;
	[smem:$0x7FF] =	sst s4;
	s7 =	smul.u32 $0x4E20, s9  }
0xc: {  	s5 =	sand.u32 $0x1, s5;
	s6 =	sshll.u32 s9, $0x1;
	s9 =	smul.u32 $0x9C4, s9  }
0xd: {  	s8 =	ssub.s32 $0x2, s5;
	s5 =	sor.u32 s5, s6;
	_ =	strace $0x80000047  }
0xe: {  	s24 =	sshrl.u32 s8, $0x1;
	s10 =	smul.u32 $0x4E2, s5;
	s25 =	sshrl.u32 s7, $0x2  }
0xf: {  	s11 =	smul.u32 $0x2760, s5;
	s6 =	sadd.s32 s1, s9;
	s7 =	sadd.s32 s3, s9  }
0x10: {  	s17 =	ssub.s32 s8, s24;
	s5 =	sadd.s32 s25, s2;
	s24 =	simm.s32 $0x2710  }
0x11: {  	s8 =	sadd.s32 s0, s10;
	s9 =	sadd.s32 s1, s10;
	s26 =	sshrl.u32 s11, $0x3  }
0x12: {  	s10 =	sadd.s32 s3, s10;
	s17 =	smax.u32 s17, $0x1;
	s11 =	sadd.s32 s14, s26  }
0x13: {  	s31 =	sadd.s32 $0x4E2, s26;
	s12 =	sadd.s32 s15, s26;
	s13 =	sadd.s32 s16, s26  }
0x14: {  	v0 =	vimm.f32 $1.000000000e+00;
	v1 =	vimm.s32 $0x0;
	v2 =	vimm.f32 $0.0e+00;
	s14 =	sadd.s32 s14, s31;
	s15 =	sadd.s32 s15, s31;
	s16 =	sadd.s32 s16, s31  }
.LBB2_1:
0x15: {  	s0 =	rddreg [dreg:$0x3]  }
0x16: {  	[tilespmem:s18], [sflag:$0x2] =	stream.linear.gather [hbm4b:s0+s4], $0x1388, $0x38;
	[tilespmem:$0x18088] =	vst v63  }
0x17: {  	_ =	swait.ge [sflag:s19], $0x1388  }
0x18: {  	[sflag:s19] =	ssyncset.done $0x0  }
0x19: {  	[sflag:s19] =	ssyncadd.s32 $0xFFFFEC78  }
0x1a: {  	[spmem:s5] =	stream.linear.scatter [tilespmem:s18], [sflag:$0x2], $0x1388, $0x38;
	[tilespmem:$0x18088] =	vst v63  }
0x1b: {  	_ =	swait.ge [sflag:s19], $0x1388  }
0x1c: {  	[sflag:s19] =	ssyncset.done $0x0  }
0x1d: {  	[sflag:s19] =	ssyncadd.s32 $0xFFFFEC78  }
0x1e: {  	[tilespmem:$0x16B80] =	vst v0  }
0x1f: {  	[tilespmem:$0x16C00] =	vst v1  }
0x20: {  	[tilespmem:$0x16C80] =	vst v2  }
0x21: {  	[tilespmem:$0x16B90] =	vst v0  }
0x22: {  	[tilespmem:$0x16C10] =	vst v1  }
0x23: {  	[tilespmem:$0x16C90] =	vst v2  }
0x24: {  	[tilespmem:$0x16BA0] =	vst v0  }
0x25: {  	[tilespmem:$0x16C20] =	vst v1  }
0x26: {  	[tilespmem:$0x16CA0] =	vst v2  }
0x27: {  	[tilespmem:$0x16BB0] =	vst v0  }
0x28: {  	[tilespmem:$0x16C30] =	vst v1  }
0x29: {  	[tilespmem:$0x16CB0] =	vst v2  }
0x2a: {  	[tilespmem:$0x16BC0] =	vst v0  }
0x2b: {  	[tilespmem:$0x16C40] =	vst v1  }
0x2c: {  	[tilespmem:$0x16CC0] =	vst v2  }
0x2d: {  	[tilespmem:s4], [sflag:$0x2] =	stream.linear.gather [hbm4b:s6+s4], $0x4E20, $0x38;
	[tilespmem:$0x18088] =	vst v63  }
0x2e: {  	_ =	swait.ge [sflag:s19], $0x4E20  }
0x2f: {  	[sflag:s19] =	ssyncset.done $0x0  }
0x30: {  	[sflag:s19] =	ssyncadd.s32 $0xFFFFB1E0  }
0x31: {  	[tilespmem:s20], [sflag:$0x2] =	stream.linear.gather [hbm4b:s7+s4], $0x4E20, $0x38;
	[tilespmem:$0x18088] =	vst v63  }
0x32: {  	_ =	swait.ge [sflag:s19], $0x4E20  }
0x33: {  	[sflag:s19] =	ssyncset.done $0x0  }
0x34: {  	[sflag:s19] =	ssyncadd.s32 $0xFFFFB1E0  }
0x35: {  	s26 =	simm.s32 $0x0;
	[bflag:$0x0] =	sbarrier.arrive $0xFFFF  }
0x36: {  	v3 =	vld [tilespmem:s26+$0x0]  }
0x37: {  	v4 =	vld [tilespmem:s26+$0x4E20];
	_ =	sdelay $0x3  }
0x38: {  	v3 =	vshll.u32 v3, $0x3  }
0x39: {  	s3 =	simm.s32 $0x9C80;
	v3 =	vadd.s32 v4, v3  }
0x3a: {  	[tilespmem:s3+$0x0] =	vst v3  }
0x3b: {  	v3 =	vld [tilespmem:s26+$0x10]  }
0x3c: {  	v60 =	vld [tilespmem:s26+$0x4E30];
	_ =	sdelay $0x3  }
0x3d: {  	v3 =	vshll.u32 v3, $0x3  }
0x3e: {  	v3 =	vadd.s32 v60, v3  }
0x3f: {  	[tilespmem:s3+$0x10] =	vst v3  }
0x40: {  	v3 =	vld [tilespmem:s26+$0x20]  }
0x41: {  	v61 =	vld [tilespmem:s26+$0x4E40];
	_ =	sdelay $0x3  }
0x42: {  	v3 =	vshll.u32 v3, $0x3  }
0x43: {  	v3 =	vadd.s32 v61, v3  }
0x44: {  	[tilespmem:s3+$0x20] =	vst v3  }
0x45: {  	v3 =	vld [tilespmem:s26+$0x30]  }
0x46: {  	v62 =	vld [tilespmem:s26+$0x4E50];
	_ =	sdelay $0x3  }
0x47: {  	v3 =	vshll.u32 v3, $0x3  }
0x48: {  	v3 =	vadd.s32 v62, v3  }
0x49: {  	[tilespmem:s3+$0x30] =	vst v3  }
0x4a: {  	v3 =	vld [tilespmem:s26+$0x40]  }
0x4b: {  	v63 =	vld [tilespmem:s26+$0x4E60];
	_ =	sdelay $0x3  }
0x4c: {  	v3 =	vshll.u32 v3, $0x3  }
0x4d: {  	v3 =	vadd.s32 v63, v3  }
0x4e: {  	s1 =	simm.s32 $0x50;
	s31 =	simm.s32 $0x280;
	s0 =	simm.s32 $0x9D00;
	[tilespmem:s3+$0x40] =	vst v3  }
.LBB2_2:
0x4f: {  	[spmem:s2] =	stream.indirect.scatter.add.f32 [tilespmem:s22], [sflag:$0x1], $0x1, s3, s21, $0xb8;
	[tilespmem:$0x18088] =	vst v63  }
0x50: {  	s25 =	sshra.s32 s31, $0x2;
	p0 =	sne.s32 s31, $0x13740;
	s31 =	sadd.s32 $0x140, s31;
	v3 =	vld [tilespmem:s1+$0x0]  }
0x51: {  	s3 =	smov.u32 s0;
	v4 =	vld [tilespmem:s1+$0x4E20];
	_ =	sdelay $0x3  }
0x52: {  	v3 =	vshll.u32 v3, $0x3  }
0x53: {  	v3 =	vadd.s32 v4, v3  }
0x54: {  	[tilespmem:s0+$0x0] =	vst v3  }
0x55: {  	v3 =	vld [tilespmem:s1+$0x10]  }
0x56: {  	v4 =	vld [tilespmem:s1+$0x4E30];
	_ =	sdelay $0x3  }
0x57: {  	v3 =	vshll.u32 v3, $0x3  }
0x58: {  	v3 =	vadd.s32 v4, v3  }
0x59: {  	[tilespmem:s0+$0x10] =	vst v3  }
0x5a: {  	v3 =	vld [tilespmem:s1+$0x20]  }
0x5b: {  	v4 =	vld [tilespmem:s1+$0x4E40];
	_ =	sdelay $0x3  }
0x5c: {  	v3 =	vshll.u32 v3, $0x3  }
0x5d: {  	v3 =	vadd.s32 v4, v3  }
0x5e: {  	[tilespmem:s0+$0x20] =	vst v3  }
0x5f: {  	v3 =	vld [tilespmem:s1+$0x30]  }
0x60: {  	v4 =	vld [tilespmem:s1+$0x4E50];
	_ =	sdelay $0x3  }
0x61: {  	v3 =	vshll.u32 v3, $0x3  }
0x62: {  	v3 =	vadd.s32 v4, v3  }
0x63: {  	[tilespmem:s0+$0x30] =	vst v3  }
0x64: {  	v3 =	vld [tilespmem:s1+$0x40]  }
0x65: {  	v4 =	vld [tilespmem:s1+$0x4E60];
	s1 =	smov.u32 s25;
	_ =	sdelay $0x1  }
.Ltmp0:
0x66: {  	(pc) =	sbr.rel @p0 .LBB2_2-.Ltmp0, $4  }
0x67: {  	_ = 	snop  }
0x68: {  	v3 =	vshll.u32 v3, $0x3  }
0x69: {  	v3 =	vadd.s32 v4, v3  }
0x6a: {  	s0 =	sadd.s32 $0x80, s0;
	[tilespmem:s3+$0x40] =	vst v3  }
0x6b: {  	[spmem:s2] =	stream.indirect.scatter.add.f32 [tilespmem:s22], [sflag:$0x1], $0x1, s3, s21, $0xb8;
	[tilespmem:$0x18088] =	vst v63  }
0x6c: {  	v3 =	vld [tilespmem:s1+$0x0]  }
0x6d: {  	v4 =	vld [tilespmem:s1+$0x4E20];
	_ =	sdelay $0x3  }
0x6e: {  	v3 =	vshll.u32 v3, $0x3  }
0x6f: {  	v3 =	vadd.s32 v4, v3  }
0x70: {  	[tilespmem:s0+$0x0] =	vst v3  }
0x71: {  	v3 =	vld [tilespmem:s1+$0x10]  }
0x72: {  	v4 =	vld [tilespmem:s1+$0x4E30];
	_ =	sdelay $0x3  }
0x73: {  	v3 =	vshll.u32 v3, $0x3  }
0x74: {  	v3 =	vadd.s32 v4, v3  }
0x75: {  	[tilespmem:s0+$0x10] =	vst v3  }
0x76: {  	v3 =	vld [tilespmem:s1+$0x20]  }
0x77: {  	v4 =	vld [tilespmem:s1+$0x4E40];
	_ =	sdelay $0x3  }
0x78: {  	v3 =	vshll.u32 v3, $0x3  }
0x79: {  	v3 =	vadd.s32 v4, v3  }
0x7a: {  	[tilespmem:s0+$0x20] =	vst v3  }
0x7b: {  	v3 =	vld [tilespmem:s1+$0x30]  }
0x7c: {  	v4 =	vld [tilespmem:s1+$0x4E50];
	_ =	sdelay $0x3  }
0x7d: {  	v3 =	vshll.u32 v3, $0x3  }
0x7e: {  	v3 =	vadd.s32 v4, v3  }
0x7f: {  	[tilespmem:s0+$0x30] =	vst v3  }
0x80: {  	v3 =	vld [tilespmem:s1+$0x40]  }
0x81: {  	v4 =	vld [tilespmem:s1+$0x4E60];
	_ =	sdelay $0x3  }
0x82: {  	v3 =	vshll.u32 v3, $0x3  }
0x83: {  	v3 =	vadd.s32 v4, v3  }
0x84: {  	[tilespmem:s0+$0x40] =	vst v3  }
0x85: {  	[spmem:s2] =	stream.indirect.scatter.add.f32 [tilespmem:s22], [sflag:$0x1], $0x1, s0, s21, $0xb8;
	[tilespmem:$0x18088] =	vst v63  }
0x86: {  	_ =	swait.ge [sflag:s23], $0x4E20  }
0x87: {  	[sflag:s23] =	ssyncset.done $0x0  }
0x88: {  	[sflag:s23] =	ssyncadd.s32 $0xFFFFB1E0  }
0x89: {  	s26 =	simm.s32 $0x0;
	[bflag:$0x0] =	sbarrier.arrive $0xFFFF  }
0x8a: {  	[tilespmem:s26], [sflag:$0x2] =	stream.linear.gather [hbm4b:s8+s26], $0x2710, $0x38;
	[tilespmem:$0x18088] =	vst v63  }
0x8b: {  	_ =	swait.ge [sflag:s19], $0x2710  }
0x8c: {  	[sflag:s19] =	ssyncset.done $0x0  }
0x8d: {  	[sflag:s19] =	ssyncadd.s32 $0xFFFFD8F0  }
0x8e: {  	[tilespmem:s24], [sflag:$0x2] =	stream.linear.gather [hbm4b:s9+s26], $0x2710, $0x38;
	[tilespmem:$0x18088] =	vst v63  }
0x8f: {  	_ =	swait.ge [sflag:s19], $0x2710  }
0x90: {  	[sflag:s19] =	ssyncset.done $0x0  }
0x91: {  	[sflag:s19] =	ssyncadd.s32 $0xFFFFD8F0  }
0x92: {  	[tilespmem:s20], [sflag:$0x2] =	stream.linear.gather [hbm4b:s10+s26], $0x2710, $0x38;
	[tilespmem:$0x18088] =	vst v63  }
0x93: {  	_ =	swait.ge [sflag:s19], $0x2710  }
0x94: {  	[sflag:s19] =	ssyncset.done $0x0  }
0x95: {  	s31 =	simm.s32 $0x0;
	[sflag:s19] =	ssyncadd.s32 $0xFFFFD8F0  }
0x96: {  	v3 =	vld [tilespmem:s31+$0x2710]  }
0x97: {  	v4 =	vld [tilespmem:s31+$0x0]  }
0x98: {  	v5 =	vld [tilespmem:s31+$0x4E20];
	_ =	sdelay $0x3  }
0x99: {  	v4 =	vshll.u32 v4, $0x3  }
0x9a: {  	v3 =	vshll.u32 v3, $0x3;
	v4 =	vadd.s32 v4, v5  }
0x9b: {  	s3 =	simm.s32 $0x9C80;
	v3 =	vadd.s32 v5, v3;
	[tilespmem:s31+$0x7530] =	vst v4  }
0x9c: {  	[tilespmem:s3+$0x0] =	vst v3  }
0x9d: {  	v3 =	vld [tilespmem:s31+$0x4E30]  }
0x9e: {  	v5 =	vld [tilespmem:s31+$0x10]  }
0x9f: {  	s1 =	simm.s32 $0x140;
	s0 =	simm.s32 $0x9C80;
	v4 =	vld [tilespmem:s31+$0x2720]  }
.LBB2_4:
0xa0: {  	_ =	sdelay $0x1  }
0xa1: {  	p0 =	sne.s32 s1, $0x9B00  }
0xa2: {  	s3 =	sadd.s32 $0x80, s3;
	s25 =	smov.u32 s1;
	s1 =	sadd.s32 $0x140, s1;
	v5 =	vshll.u32 v5, $0x3  }
0xa3: {  	v5 =	vadd.s32 v5, v3;
	v4 =	vshll.u32 v4, $0x3  }
0xa4: {  	[tilespmem:s31+$0x7540] =	vst v5;
	v3 =	vadd.s32 v3, v4  }
0xa5: {  	[tilespmem:s0+$0x10] =	vst v3  }
0xa6: {  	v3 =	vld [tilespmem:s31+$0x20]  }
0xa7: {  	v4 =	vld [tilespmem:s31+$0x2730]  }
0xa8: {  	v5 =	vld [tilespmem:s31+$0x4E40];
	_ =	sdelay $0x2  }
0xa9: {  	v3 =	vshll.u32 v3, $0x3  }
0xaa: {  	v4 =	vshll.u32 v4, $0x3  }
0xab: {  	v3 =	vadd.s32 v3, v5;
	v4 =	vadd.s32 v5, v4  }
0xac: {  	[tilespmem:s31+$0x7550] =	vst v3  }
0xad: {  	[tilespmem:s0+$0x20] =	vst v4  }
0xae: {  	v3 =	vld [tilespmem:s31+$0x30]  }
0xaf: {  	v4 =	vld [tilespmem:s31+$0x2740]  }
0xb0: {  	v5 =	vld [tilespmem:s31+$0x4E50];
	_ =	sdelay $0x2  }
0xb1: {  	v3 =	vshll.u32 v3, $0x3  }
0xb2: {  	v4 =	vshll.u32 v4, $0x3  }
0xb3: {  	v3 =	vadd.s32 v3, v5;
	v4 =	vadd.s32 v5, v4  }
0xb4: {  	[tilespmem:s31+$0x7560] =	vst v3  }
0xb5: {  	[tilespmem:s0+$0x30] =	vst v4  }
0xb6: {  	v3 =	vld [tilespmem:s31+$0x40]  }
0xb7: {  	v4 =	vld [tilespmem:s31+$0x4E60]  }
0xb8: {  	v5 =	vld [tilespmem:s31+$0x2750];
	_ =	sdelay $0x2  }
0xb9: {  	v3 =	vshll.u32 v3, $0x3  }
0xba: {  	v3 =	vadd.s32 v3, v4  }
0xbb: {  	[tilespmem:s31+$0x7570] =	vst v3;
	v3 =	vshll.u32 v5, $0x3  }
0xbc: {  	v3 =	vadd.s32 v4, v3  }
0xbd: {  	s26 =	sadd.s32 $0x11C80, s31;
	s31 =	sshra.s32 s25, $0x2;
	[tilespmem:s0+$0x40] =	vst v3  }
0xbe: {  	[tilespmem:s26], [sflag:$0x1] =	stream.indirect.gather [spmem:s2], $0x1, s0, s21, $0xb8;
	[tilespmem:$0x18088] =	vst v63  }
0xbf: {  	s0 =	smov.u32 s3;
	v3 =	vld [tilespmem:s31+$0x2710]  }
0xc0: {  	v4 =	vld [tilespmem:s31+$0x0]  }
0xc1: {  	v5 =	vld [tilespmem:s31+$0x4E20];
	_ =	sdelay $0x2  }
0xc2: {  	v3 =	vshll.u32 v3, $0x3  }
0xc3: {  	v4 =	vshll.u32 v4, $0x3  }
0xc4: {  	v4 =	vadd.s32 v4, v5  }
.Ltmp1:
0xc5: {  	v3 =	vadd.s32 v5, v3;
	[tilespmem:s31+$0x7530] =	vst v4;
	(pc) =	sbr.rel @p0 .LBB2_4-.Ltmp1, $4  }
0xc6: {  	[tilespmem:s3+$0x0] =	vst v3  }
0xc7: {  	v3 =	vld [tilespmem:s31+$0x4E30]  }
0xc8: {  	v5 =	vld [tilespmem:s31+$0x10]  }
0xc9: {  	v4 =	vld [tilespmem:s31+$0x2720]  }
0xca: {  	_ =	sdelay $0x2  }
0xcb: {  	v5 =	vshll.u32 v5, $0x3  }
0xcc: {  	v5 =	vadd.s32 v5, v3;
	v4 =	vshll.u32 v4, $0x3  }
0xcd: {  	[tilespmem:s31+$0x7540] =	vst v5;
	v3 =	vadd.s32 v3, v4  }
0xce: {  	[tilespmem:s0+$0x10] =	vst v3  }
0xcf: {  	v3 =	vld [tilespmem:s31+$0x20]  }
0xd0: {  	v4 =	vld [tilespmem:s31+$0x2730]  }
0xd1: {  	v5 =	vld [tilespmem:s31+$0x4E40];
	_ =	sdelay $0x3  }
0xd2: {  	v3 =	vshll.u32 v3, $0x3  }
0xd3: {  	v4 =	vshll.u32 v4, $0x3;
	v3 =	vadd.s32 v3, v5  }
0xd4: {  	v4 =	vadd.s32 v5, v4;
	[tilespmem:s31+$0x7550] =	vst v3  }
0xd5: {  	[tilespmem:s0+$0x20] =	vst v4  }
0xd6: {  	v3 =	vld [tilespmem:s31+$0x30]  }
0xd7: {  	v4 =	vld [tilespmem:s31+$0x2740]  }
0xd8: {  	v5 =	vld [tilespmem:s31+$0x4E50];
	_ =	sdelay $0x3  }
0xd9: {  	v3 =	vshll.u32 v3, $0x3  }
0xda: {  	v4 =	vshll.u32 v4, $0x3;
	v3 =	vadd.s32 v3, v5  }
0xdb: {  	v4 =	vadd.s32 v5, v4;
	[tilespmem:s31+$0x7560] =	vst v3  }
0xdc: {  	[tilespmem:s0+$0x30] =	vst v4  }
0xdd: {  	v3 =	vld [tilespmem:s31+$0x40]  }
0xde: {  	v4 =	vld [tilespmem:s31+$0x4E60]  }
0xdf: {  	v5 =	vld [tilespmem:s31+$0x2750];
	_ =	sdelay $0x3  }
0xe0: {  	v3 =	vshll.u32 v3, $0x3  }
0xe1: {  	v5 =	vshll.u32 v5, $0x3;
	v3 =	vadd.s32 v3, v4  }
0xe2: {  	[tilespmem:s31+$0x7570] =	vst v3;
	v3 =	vadd.s32 v4, v5  }
0xe3: {  	s1 =	sadd.s32 $0x11C80, s31;
	[tilespmem:s0+$0x40] =	vst v3  }
0xe4: {  	[tilespmem:s1], [sflag:$0x1] =	stream.indirect.gather [spmem:s2], $0x1, s0, s21, $0xb8;
	[tilespmem:$0x18088] =	vst v63  }
0xe5: {  	_ =	swait.ge [sflag:s23], $0x2710  }
0xe6: {  	[sflag:s23] =	ssyncset.done $0x0  }
0xe7: {  	s0 =	simm.s32 $0x0;
	[sflag:s23] =	ssyncadd.s32 $0xFFFFD8F0  }
0xe8: {  	v3 =	vld [tilespmem:s0+$0x11C80];
	_ =	sdelay $0x4  }
0xe9: {  	s1 =	simm.s32 $0x10;
	v4 =	vmax.f32 v3, $1.000000000e+00  }
0xea: {  	v3 =	vld [tilespmem:s1+$0x11C80];
	(erf) = vrcp.f32 v4;
	_ =	sdelay $0x3  }
0xeb: {  	s3 =	simm.s32 $0x80  }
.LBB2_6:
0xec: {  	s25 =	sshra.s32 s3, $0x2;
	p0 =	sne.s32 s3, $0x9C00;
	s3 =	sadd.s32 $0x40, s3;
	v4 =	vmax.f32 v3, $1.000000000e+00  }
.Ltmp2:
0xed: {  	v3 =	vld [tilespmem:s25+$0x11C80];
	(erf) = vrcp.f32 v4;
	(pc) =	sbr.rel @p0 .LBB2_6-.Ltmp2, $3  }
0xee: {  	_ =	sdelay $0x1  }
0xef: {  	v4 =	vpop (erf)  }
0xf0: {  	[tilespmem:s0+$0x14400] =	vst v4;
	s0 =	smov.u32 s1;
	s1 =	smov.u32 s25  }
0xf1: {  	v3 =	vmax.f32 v3, $1.000000000e+00  }
0xf2: {  	(erf) = vrcp.f32 v3;
	_ =	sdelay $0x7  }
0xf3: {  	v3 =	vpop (erf)  }
0xf4: {  	[tilespmem:s0+$0x14400] =	vst v3;
	v3 =	vpop (erf)  }
0xf5: {  	s26 =	simm.s32 $0x7530;
	[tilespmem:s1+$0x14400] =	vst v3  }
0xf6: {  	[hbm4b:s11+s4] =	stream.linear.scatter [tilespmem:s26], [sflag:$0x2], $0x2710, $0x38;
	[tilespmem:$0x18088] =	vst v63  }
0xf7: {  	_ =	swait.ge [sflag:s19], $0x2710  }
0xf8: {  	[sflag:s19] =	ssyncset.done $0x0  }
0xf9: {  	[sflag:s19] =	ssyncadd.s32 $0xFFFFD8F0  }
0xfa: {  	[hbm4b:s12+s4] =	stream.linear.scatter [tilespmem:s24], [sflag:$0x2], $0x2710, $0x38;
	[tilespmem:$0x18088] =	vst v63  }
0xfb: {  	_ =	swait.ge [sflag:s19], $0x2710  }
0xfc: {  	[sflag:s19] =	ssyncset.done $0x0  }
0xfd: {  	s31 =	simm.s32 $0x14400;
	[sflag:s19] =	ssyncadd.s32 $0xFFFFD8F0  }
0xfe: {  	[hbm4b:s13+s4] =	stream.linear.scatter [tilespmem:s31], [sflag:$0x2], $0x2710, $0x38;
	[tilespmem:$0x18088] =	vst v63  }
0xff: {  	_ =	swait.ge [sflag:s19], $0x2710  }
0x100: {  	[sflag:s19] =	ssyncset.done $0x0  }
0x101: {  	[sflag:s19] =	ssyncadd.s32 $0xFFFFD8F0  }
0x102: {  	[hbm4b:s14+s4] =	stream.linear.scatter [tilespmem:s28], [sflag:$0x2], $0x50, $0x38;
	[tilespmem:$0x18088] =	vst v63  }
0x103: {  	_ =	swait.ge [sflag:s19], $0x50  }
0x104: {  	[sflag:s19] =	ssyncset.done $0x0  }
0x105: {  	[sflag:s19] =	ssyncadd.s32 $0xFFFFFFB0  }
0x106: {  	[hbm4b:s15+s4] =	stream.linear.scatter [tilespmem:s28], [sflag:$0x2], $0x50, $0x38;
	[tilespmem:$0x18088] =	vst v63  }
0x107: {  	s30 =	sadd.s32 $0x1, s30;
	_ =	swait.ge [sflag:s19], $0x50  }
0x108: {  	p0 =	sne.s32 s30, s17;
	[sflag:s19] =	ssyncset.done $0x0  }
.Ltmp3:
0x109: {  	[sflag:s19] =	ssyncadd.s32 $0xFFFFFFB0;
	(pc) =	sbr.rel @p0 .LBB2_1-.Ltmp3, $4  }
0x10a: {  	[hbm4b:s16+s4] =	stream.linear.scatter [tilespmem:s29], [sflag:$0x2], $0x50, $0x38;
	[tilespmem:$0x18088] =	vst v63  }
0x10b: {  	_ =	swait.ge [sflag:s19], $0x50  }
0x10c: {  	[sflag:s19] =	ssyncset.done $0x0  }
0x10d: {  	[sflag:s19] =	ssyncadd.s32 $0xFFFFFFB0  }
0x10e: {  	_ =	sfence.sel $0x180000  }
0x10f: {  	[bflag:$0x0] =	sbarrier.arrive $0xFFFF  }
0x110: {  	_ =	strace $0x90000047  }
0x111: {  	s0 =	stileid.u32;
	[bflag:$0x2] =	sbarrier.arrive $0xFFFF  }
0x112: {  	p0 =	sne.s32 s0, $0x0;
	s0 =	rddreg [dreg:$0x8]  }
0x113: {  	s0 =	sadd.s32 @!p0 $0x100000, s0  }
0x114: {  	[sflag:s0] =	ssyncadd.tile.s32 @!p0 $0x1;
	_ =	shalt  }
.Lfunc_end2:
_tile_overlayer_lowered:
.L_overlay_start_2:
0x115: {  	(tag) =	ssettag $0x2  }
0x116: {  	s0 =	rddreg [dreg:$0x0];
	s2 =	stileid.u32  }
0x117: {  	s1 =	rddreg [dreg:$0x1];
	p0 =	sne.s32 s2, $0x0  }
0x118: {  	s3 =	rddreg [dreg:$0x2];
	[bflag:$0x3] =	sbarrier.arrive $0xFFFF;
	s2 =	simm.s32 @!p0 $0x1C02  }
0x119: {  	[timem:s3], [sflag:s2] =	dma.local @!p0 [hbm:s0], s1  }
0x11a: {  	s0 =	simm.s32 @!p0 $0x2  }
0x11b: {  	_ =	swait.ge @!p0 [sflag:s0], s1  }
0x11c: {  	s1 =	ssub.s32 @!p0 $0x0, s1;
	[sflag:s0] =	ssyncset.done @!p0 $0x0  }
0x11d: {  	[sflag:s0] =	ssyncadd.s32 @!p0 s1  }
0x11e: {  	[bflag:$0x3] =	sbarrier.arrive $0xFFFF  }
0x11f: {  	_ =	shalt  }

</sc_bundles>
